<compile_context>
chip_gen: v7x
topology: tpu7x:2x2x1
jax: 0.10.2.dev20260603
libtpu: 0.0.44.dev20260713+nightly
codegen_flags: <defaults>
</compile_context>

<pallas_src>
import dataclasses

import jax
import jax.numpy as jnp
from jax import lax
from jax.experimental import pallas as pl
from jax.experimental.pallas import tpu as pltpu
from jax.experimental.pallas import tpu_sc as plsc

_RROWS = 1024
_TPAD = 1024
_P1 = 10240
_KSC = 2048
_BR = 8


def _qsample_body(t_ref, a_ref, b_ref, x_ref, n_ref, o_ref, coef_ref):
    @pl.when(pl.program_id(0) == 0)
    def _():
        t_row = t_ref[...]
        ids = jax.lax.broadcasted_iota(jnp.int32, (_TPAD, t_row.shape[1]), 0)
        m = ids == t_row
        zero = jnp.zeros((), jnp.float32)
        coef_ref[0:1, :] = jnp.sum(jnp.where(m, a_ref[...], zero), axis=0, keepdims=True)
        coef_ref[1:2, :] = jnp.sum(jnp.where(m, b_ref[...], zero), axis=0, keepdims=True)

    ca = coef_ref[0:1, :]
    cb = coef_ref[1:2, :]
    o_ref[...] = ca * x_ref[...] + cb * n_ref[...]


def _sc_body(t_hbm, a_hbm, b_hbm, x_hbm, n_hbm, o_hbm, t_v, a_v, b_v, ca_v, cb_v):
    pltpu.sync_copy(t_hbm, t_v)
    pltpu.sync_copy(a_hbm, a_v)
    pltpu.sync_copy(b_hbm, b_v)

    @pl.loop(0, _TPAD, step=16)
    def _(c):
        sl = pl.ds(c, 16)
        idx = t_v[sl]
        ca_v[sl] = plsc.load_gather(a_v, [idx])
        cb_v[sl] = plsc.load_gather(b_v, [idx])

    def fma_block(x_vmem, n_vmem, o_vmem):
        @pl.loop(0, _TPAD, step=16)
        def _(c):
            sl = pl.ds(c, 16)
            ca = ca_v[sl]
            cb = cb_v[sl]
            for r in range(_BR):
                o_vmem[r, sl] = ca * x_vmem[r, sl] + cb * n_vmem[r, sl]

    pltpu.emit_pipeline(
        fma_block,
        grid=(_KSC // _BR,),
        in_specs=[
            pl.BlockSpec((_BR, _TPAD), index_map=lambda i: (_P1 // _BR + i, 0)),
            pl.BlockSpec((_BR, _TPAD), index_map=lambda i: (_P1 // _BR + i, 0)),
        ],
        out_specs=[pl.BlockSpec((_BR, _TPAD), index_map=lambda i: (i, 0))],
        core_axis_name=("c", "s"),
        dimension_semantics=(pltpu.PARALLEL,),
    )(x_hbm, n_hbm, o_hbm)


def kernel(x_start, t, noise, sqrt_alphas_cumprod, sqrt_one_minus_alphas_cumprod):
    B, C, H, W = x_start.shape
    P = C * H * W
    xt = x_start.transpose(1, 2, 3, 0).reshape(P, B)
    nt = noise.transpose(1, 2, 3, 0).reshape(P, B)
    t1 = t.reshape(1, B)
    T = sqrt_alphas_cumprod.shape[0]
    a_pad = jnp.zeros((_TPAD,), jnp.float32).at[:T].set(sqrt_alphas_cumprod)
    b_pad = jnp.zeros((_TPAD,), jnp.float32).at[:T].set(sqrt_one_minus_alphas_cumprod)
    a_col = a_pad.reshape(_TPAD, 1)
    b_col = b_pad.reshape(_TPAD, 1)

    sc_params = pltpu.CompilerParams()
    if "needs_layout_passes" in pltpu.CompilerParams.__dataclass_fields__:
        sc_params = dataclasses.replace(sc_params, needs_layout_passes=False)
    mesh = plsc.VectorSubcoreMesh(core_axis_name="c", subcore_axis_name="s")
    sc_fma = pl.kernel(
        _sc_body,
        out_type=jax.ShapeDtypeStruct((_KSC, B), jnp.float32),
        mesh=mesh,
        scratch_types=[
            pltpu.VMEM((_TPAD,), jnp.int32),
            pltpu.VMEM((_TPAD,), jnp.float32),
            pltpu.VMEM((_TPAD,), jnp.float32),
            pltpu.VMEM((_TPAD,), jnp.float32),
            pltpu.VMEM((_TPAD,), jnp.float32),
        ],
        compiler_params=sc_params,
    )
    out_sc = sc_fma(t, a_pad, b_pad, xt, nt)

    out_tc = pl.pallas_call(
        _qsample_body,
        grid=(_P1 // _RROWS,),
        in_specs=[
            pl.BlockSpec((1, B), lambda i: (0, 0)),
            pl.BlockSpec((_TPAD, 1), lambda i: (0, 0)),
            pl.BlockSpec((_TPAD, 1), lambda i: (0, 0)),
            pl.BlockSpec((_RROWS, B), lambda i: (i, 0)),
            pl.BlockSpec((_RROWS, B), lambda i: (i, 0)),
        ],
        out_specs=pl.BlockSpec((_RROWS, B), lambda i: (i, 0)),
        out_shape=jax.ShapeDtypeStruct((P, B), jnp.float32),
        scratch_shapes=[pltpu.VMEM((2, B), jnp.float32)],
        compiler_params=pltpu.CompilerParams(dimension_semantics=("arbitrary",)),
    )(t1, a_col, b_col, xt, nt)

    out = lax.dynamic_update_slice(out_tc, out_sc, (_P1, 0))
    return out.reshape(C, H, W, B).transpose(3, 0, 1, 2)

# --- scband reference (transcript-rebuilt; emitter-appended) ---
"""Pipeline reference for scband-base-gaussian-diffusion-88330297410139 (READ-ONLY COPY).

The authoritative reference and input builder live on the scoring server;
editing this copy changes nothing except your own understanding.
"""

import jax, jax.numpy as jnp
import numpy as np


def cosine_beta_schedule(timesteps, s=0.008):
    steps = timesteps + 1
    x = np.linspace(0, timesteps, steps, dtype=np.float64)
    alphas_cumprod = np.cos((x / timesteps + s) / (1 + s) * np.pi * 0.5) ** 2
    alphas_cumprod = alphas_cumprod / alphas_cumprod[0]
    betas = 1 - alphas_cumprod[1:] / alphas_cumprod[:-1]
    return np.clip(betas, 0, 0.999)


def setup_inputs(seed: int = 0) -> dict:
    key = jax.random.key(seed)
    k1, k2, k3 = jax.random.split(key, 3)
    T = 1000
    betas = cosine_beta_schedule(T)
    alphas = 1.0 - betas
    alphas_cumprod = np.cumprod(alphas)
    return {
        "x_start": jax.random.normal(k1, (1024, 3, 64, 64), dtype=jnp.float32),
        "t": jax.random.randint(k2, (1024,), 0, T, dtype=jnp.int32),
        "noise": jax.random.normal(k3, (1024, 3, 64, 64), dtype=jnp.float32),
        "sqrt_alphas_cumprod": jnp.asarray(np.sqrt(alphas_cumprod), dtype=jnp.float32),
        "sqrt_one_minus_alphas_cumprod": jnp.asarray(np.sqrt(1.0 - alphas_cumprod), dtype=jnp.float32),
    }


def extract(a, t, x_shape):
    b = t.shape[0]
    out = jnp.take(a, t, axis=-1)
    return out.reshape((b,) + (1,) * (len(x_shape) - 1))


def reference(x_start, t, noise, sqrt_alphas_cumprod, sqrt_one_minus_alphas_cumprod):
    # q_sample: gather per-timestep coefficients, broadcast-multiply against image tensors
    return (
        extract(sqrt_alphas_cumprod, t, x_start.shape) * x_start
        + extract(sqrt_one_minus_alphas_cumprod, t, x_start.shape) * noise
    )

if __name__ == "__main__":
    import jax
    _d = setup_inputs()
    print(jax.jit(kernel)(*tuple(_d.values())))

</pallas_src>

<mosaic_0001>
#map = affine_map<(d0, d1) -> (0)>
#map1 = affine_map<(d0, d1) -> (0, 0)>
module attributes {stable_mosaic.version = 14 : i64} {
  func.func @_sc_body(%arg0: i32, %arg1: i32, %arg2: memref<1024xi32, #tpu.memory_space<hbm>>, %arg3: memref<1024xf32, #tpu.memory_space<hbm>>, %arg4: memref<1024xf32, #tpu.memory_space<hbm>>, %arg5: memref<12288x1024xf32, #tpu.memory_space<hbm>>, %arg6: memref<12288x1024xf32, #tpu.memory_space<hbm>>, %arg7: memref<2048x1024xf32, #tpu.memory_space<hbm>>, %arg8: memref<1024xi32, #tpu.memory_space<vmem>>, %arg9: memref<1024xf32, #tpu.memory_space<vmem>>, %arg10: memref<1024xf32, #tpu.memory_space<vmem>>, %arg11: memref<1024xf32, #tpu.memory_space<vmem>>, %arg12: memref<1024xf32, #tpu.memory_space<vmem>>) attributes {dimension_semantics = [#tpu.dimension_semantics<core_parallel>, #tpu.dimension_semantics<subcore_parallel>], iteration_bounds = array<i64: 2, 16>, scalar_prefetch = 0 : i64, scratch_operands = 5 : i64, tpu.core_type = #tpu.core_type<sc_vector_subcore>, window_params = [{transform_indices = #map}, {transform_indices = #map}, {transform_indices = #map}, {transform_indices = #map1}, {transform_indices = #map1}, {transform_indices = #map1}]} {
    "tpu.region"() ({
      %run_scoped3A = tpu.sem_alloc : memref<!tpu.dma_semaphore, #tpu.memory_space<semaphore_mem>>
      tpu.enqueue_dma source(%arg2 : memref<1024xi32, #tpu.memory_space<hbm>>) target(%arg8 : memref<1024xi32, #tpu.memory_space<vmem>>) target_semaphore(%run_scoped3A : memref<!tpu.dma_semaphore, #tpu.memory_space<semaphore_mem>>)
      tpu.wait_dma2 semaphore(%run_scoped3A : memref<!tpu.dma_semaphore, #tpu.memory_space<semaphore_mem>>) src(%arg2 : memref<1024xi32, #tpu.memory_space<hbm>>) dst(%arg8 : memref<1024xi32, #tpu.memory_space<vmem>>)
      tpu.yield
    }) : () -> ()
    "tpu.region"() ({
      %run_scoped3A = tpu.sem_alloc : memref<!tpu.dma_semaphore, #tpu.memory_space<semaphore_mem>>
      tpu.enqueue_dma source(%arg3 : memref<1024xf32, #tpu.memory_space<hbm>>) target(%arg9 : memref<1024xf32, #tpu.memory_space<vmem>>) target_semaphore(%run_scoped3A : memref<!tpu.dma_semaphore, #tpu.memory_space<semaphore_mem>>)
      tpu.wait_dma2 semaphore(%run_scoped3A : memref<!tpu.dma_semaphore, #tpu.memory_space<semaphore_mem>>) src(%arg3 : memref<1024xf32, #tpu.memory_space<hbm>>) dst(%arg9 : memref<1024xf32, #tpu.memory_space<vmem>>)
      tpu.yield
    }) : () -> ()
    "tpu.region"() ({
      %run_scoped3A = tpu.sem_alloc : memref<!tpu.dma_semaphore, #tpu.memory_space<semaphore_mem>>
      tpu.enqueue_dma source(%arg4 : memref<1024xf32, #tpu.memory_space<hbm>>) target(%arg10 : memref<1024xf32, #tpu.memory_space<vmem>>) target_semaphore(%run_scoped3A : memref<!tpu.dma_semaphore, #tpu.memory_space<semaphore_mem>>)
      tpu.wait_dma2 semaphore(%run_scoped3A : memref<!tpu.dma_semaphore, #tpu.memory_space<semaphore_mem>>) src(%arg4 : memref<1024xf32, #tpu.memory_space<hbm>>) dst(%arg10 : memref<1024xf32, #tpu.memory_space<vmem>>)
      tpu.yield
    }) : () -> ()
    %scan3A = arith.constant 0 : i32
    %scan3A_0 = arith.constant 64 : i32
    %scan3A_1 = arith.addi %scan3A, %scan3A_0 : i32
    %scan3A_2 = arith.constant 1 : i32
    scf.for %scan3A_11 = %scan3A to %scan3A_1 step %scan3A_2  : i32 {
      %mul3A_12 = arith.constant 16 : i32
      %mul3A_13 = arith.muli %scan3A_11, %mul3A_12 : i32
      %add3A_14 = arith.constant 0 : i32
      %add3A_15 = arith.addi %add3A_14, %mul3A_13 : i32
      %get3A = arith.index_cast %add3A_15 : i32 to index
      %get3A_16 = tpu.vector_load %arg8[%get3A] {strides = array<i32>} : memref<1024xi32, #tpu.memory_space<vmem>>, vector<16xi32>,
      %gather3A = tpu.vector_load_idx %arg9[%get3A_16] : memref<1024xf32, #tpu.memory_space<vmem>>[vector<16xi32>], vector<16xf32>,
      %swap3A = arith.index_cast %add3A_15 : i32 to index
      %swap3A_17 = tpu.vector_load %arg11[%swap3A] {strides = array<i32>} : memref<1024xf32, #tpu.memory_space<vmem>>, vector<16xf32>,
      tpu.vector_store %arg11[%swap3A], %gather3A {strides = array<i32>} : memref<1024xf32, #tpu.memory_space<vmem>>, vector<16xf32>,
      %gather3A_18 = tpu.vector_load_idx %arg10[%get3A_16] : memref<1024xf32, #tpu.memory_space<vmem>>[vector<16xi32>], vector<16xf32>,
      %swap3A_19 = arith.index_cast %add3A_15 : i32 to index
      %swap3A_20 = tpu.vector_load %arg12[%swap3A_19] {strides = array<i32>} : memref<1024xf32, #tpu.memory_space<vmem>>, vector<16xf32>,
      tpu.vector_store %arg12[%swap3A_19], %gather3A_18 {strides = array<i32>} : memref<1024xf32, #tpu.memory_space<vmem>>, vector<16xf32>,
    }
    %scan3A_3 = arith.constant 64 : i32
    %mul3A = arith.constant 1 : i32
    %mul3A_4 = arith.muli %arg1, %mul3A : i32
    %add3A = arith.constant 0 : i32
    %add3A_5 = arith.addi %add3A, %mul3A_4 : i32
    %mul3A_6 = arith.constant 16 : i32
    %mul3A_7 = arith.muli %arg0, %mul3A_6 : i32
    %add3A_8 = arith.addi %add3A_5, %mul3A_7 : i32
    %mul3A_9 = arith.constant 8 : i32
    %mul3A_10 = arith.muli %add3A_8, %mul3A_9 : i32
    "tpu.region"() ({
      %run_scoped3A = memref.alloca() : memref<2x8x1024xf32, #tpu.memory_space<vmem>>
      %run_scoped3A_11 = tpu.sem_alloc : memref<2x!tpu.dma_semaphore, #tpu.memory_space<semaphore_mem>>
      %run_scoped3A_12 = memref.alloca() : memref<2x8x1024xf32, #tpu.memory_space<vmem>>
      %run_scoped3A_13 = tpu.sem_alloc : memref<2x!tpu.dma_semaphore, #tpu.memory_space<semaphore_mem>>
      %run_scoped3A_14 = memref.alloca() : memref<2x8x1024xf32, #tpu.memory_space<vmem>>
      %run_scoped3A_15 = tpu.sem_alloc : memref<2x!tpu.dma_semaphore, #tpu.memory_space<semaphore_mem>>
      %add3A_16 = arith.constant 0 : i32
      %add3A_17 = arith.addi %add3A_16, %mul3A_10 : i32
      %select_n3A = arith.constant true
      %select_n3A_18 = arith.constant 0 : i32
      %select_n3A_19 = arith.constant -1 : i32
      %select_n3A_20 = arith.select %select_n3A, %select_n3A_19, %select_n3A_18 : i32
      %eq3A = arith.constant -1 : i32
      %eq3A_21 = arith.cmpi eq, %select_n3A_20, %eq3A : i32
      %select_n3A_22 = arith.constant 7 : i32
      %select_n3A_23 = arith.select %eq3A_21, %select_n3A_22, %select_n3A_20 : i32
      %add3A_24 = arith.addi %select_n3A_23, %mul3A_10 : i32
      %select_n3A_25 = arith.constant true
      %select_n3A_26 = arith.constant 0 : i32
      %select_n3A_27 = arith.constant 1 : i32
      %select_n3A_28 = arith.select %select_n3A_25, %select_n3A_27, %select_n3A_26 : i32
      %eq3A_29 = arith.constant 8 : i32
      %eq3A_30 = arith.cmpi eq, %select_n3A_28, %eq3A_29 : i32
      %select_n3A_31 = arith.constant 0 : i32
      %select_n3A_32 = arith.select %eq3A_30, %select_n3A_31, %select_n3A_28 : i32
      %add3A_33 = arith.addi %select_n3A_32, %mul3A_10 : i32
      %add3A_34 = arith.constant 1 : i32
      %add3A_35 = arith.addi %select_n3A_32, %add3A_34 : i32
      %select_n3A_36 = arith.constant true
      %select_n3A_37 = arith.select %select_n3A_36, %add3A_35, %select_n3A_32 : i32
      %eq3A_38 = arith.constant 8 : i32
      %eq3A_39 = arith.cmpi eq, %select_n3A_37, %eq3A_38 : i32
      %select_n3A_40 = arith.constant 0 : i32
      %select_n3A_41 = arith.select %eq3A_39, %select_n3A_40, %select_n3A_37 : i32
      %add3A_42 = arith.addi %select_n3A_41, %mul3A_10 : i32
      "tpu.trace_start"() <{level = 10 : i32, message = "ep_initialize_0"}> : () -> ()
      %rem3A = arith.constant 0 : i32
      %rem3A_43 = arith.constant 2 : i32
      %rem3A_44 = arith.remui %rem3A, %rem3A_43 : i32
      %add3A_45 = arith.constant 1280 : i32
      %add3A_46 = arith.addi %add3A_45, %add3A_17 : i32
      %mul3A_47 = arith.constant 8 : i32
      %mul3A_48 = arith.muli %mul3A_47, %add3A_46 : i32
      %dma_start3A = arith.constant 0 : i32
      %dma_start3A_49 = arith.constant 0 : i32
      %dma_start3A_50 = tpu.memref_slice %run_scoped3A[%rem3A_44, %dma_start3A, %dma_start3A_49] : memref<2x8x1024xf32, #tpu.memory_space<vmem>> -> memref<1x8x1024xf32, #tpu.memory_space<vmem>>
      %dma_start3A_51 = tpu.memref_squeeze %dma_start3A_50 : memref<1x8x1024xf32, #tpu.memory_space<vmem>> -> memref<8x1024xf32, #tpu.memory_space<vmem>>
      %dma_start3A_52 = arith.constant 0 : i32
      %dma_start3A_53 = tpu.memref_slice %arg5[%mul3A_48, %dma_start3A_52] : memref<12288x1024xf32, #tpu.memory_space<hbm>> -> memref<8x1024xf32, #tpu.memory_space<hbm>>
      %dma_start3A_54 = tpu.memref_slice %run_scoped3A_11[%rem3A_44] : memref<2x!tpu.dma_semaphore, #tpu.memory_space<semaphore_mem>> -> memref<1x!tpu.dma_semaphore, #tpu.memory_space<semaphore_mem>>
      %dma_start3A_55 = tpu.memref_squeeze %dma_start3A_54 : memref<1x!tpu.dma_semaphore, #tpu.memory_space<semaphore_mem>> -> memref<!tpu.dma_semaphore, #tpu.memory_space<semaphore_mem>>
      %dma_start3A_56 = arith.constant 0 : i32
      %dma_start3A_57 = arith.constant 0 : i32
      %dma_start3A_58 = tpu.memref_slice %run_scoped3A[%rem3A_44, %dma_start3A_56, %dma_start3A_57] : memref<2x8x1024xf32, #tpu.memory_space<vmem>> -> memref<1x8x1024xf32, #tpu.memory_space<vmem>>
      %dma_start3A_59 = tpu.memref_squeeze %dma_start3A_58 : memref<1x8x1024xf32, #tpu.memory_space<vmem>> -> memref<8x1024xf32, #tpu.memory_space<vmem>>
      %dma_start3A_60 = arith.constant 0 : i32
      %dma_start3A_61 = tpu.memref_slice %arg5[%mul3A_48, %dma_start3A_60] : memref<12288x1024xf32, #tpu.memory_space<hbm>> -> memref<8x1024xf32, #tpu.memory_space<hbm>>
      tpu.enqueue_dma source(%dma_start3A_61 : memref<8x1024xf32, #tpu.memory_space<hbm>>) target(%dma_start3A_59 : memref<8x1024xf32, #tpu.memory_space<vmem>>) target_semaphore(%dma_start3A_55 : memref<!tpu.dma_semaphore, #tpu.memory_space<semaphore_mem>>)
      %add3A_62 = arith.constant 0 : i32
      %add3A_63 = arith.constant 1 : i32
      %add3A_64 = arith.addi %add3A_62, %add3A_63 : i32
      %select_n3A_65 = arith.constant true
      %select_n3A_66 = arith.constant 0 : i32
      %select_n3A_67 = arith.select %select_n3A_65, %add3A_64, %select_n3A_66 : i32
      %rem3A_68 = arith.constant 0 : i32
      %rem3A_69 = arith.constant 2 : i32
      %rem3A_70 = arith.remui %rem3A_68, %rem3A_69 : i32
      %add3A_71 = arith.constant 1280 : i32
      %add3A_72 = arith.addi %add3A_71, %add3A_17 : i32
      %mul3A_73 = arith.constant 8 : i32
      %mul3A_74 = arith.muli %mul3A_73, %add3A_72 : i32
      %dma_start3A_75 = arith.constant 0 : i32
      %dma_start3A_76 = arith.constant 0 : i32
      %dma_start3A_77 = tpu.memref_slice %run_scoped3A_12[%rem3A_70, %dma_start3A_75, %dma_start3A_76] : memref<2x8x1024xf32, #tpu.memory_space<vmem>> -> memref<1x8x1024xf32, #tpu.memory_space<vmem>>
      %dma_start3A_78 = tpu.memref_squeeze %dma_start3A_77 : memref<1x8x1024xf32, #tpu.memory_space<vmem>> -> memref<8x1024xf32, #tpu.memory_space<vmem>>
      %dma_start3A_79 = arith.constant 0 : i32
      %dma_start3A_80 = tpu.memref_slice %arg6[%mul3A_74, %dma_start3A_79] : memref<12288x1024xf32, #tpu.memory_space<hbm>> -> memref<8x1024xf32, #tpu.memory_space<hbm>>
      %dma_start3A_81 = tpu.memref_slice %run_scoped3A_13[%rem3A_70] : memref<2x!tpu.dma_semaphore, #tpu.memory_space<semaphore_mem>> -> memref<1x!tpu.dma_semaphore, #tpu.memory_space<semaphore_mem>>
      %dma_start3A_82 = tpu.memref_squeeze %dma_start3A_81 : memref<1x!tpu.dma_semaphore, #tpu.memory_space<semaphore_mem>> -> memref<!tpu.dma_semaphore, #tpu.memory_space<semaphore_mem>>
      %dma_start3A_83 = arith.constant 0 : i32
      %dma_start3A_84 = arith.constant 0 : i32
      %dma_start3A_85 = tpu.memref_slice %run_scoped3A_12[%rem3A_70, %dma_start3A_83, %dma_start3A_84] : memref<2x8x1024xf32, #tpu.memory_space<vmem>> -> memref<1x8x1024xf32, #tpu.memory_space<vmem>>
      %dma_start3A_86 = tpu.memref_squeeze %dma_start3A_85 : memref<1x8x1024xf32, #tpu.memory_space<vmem>> -> memref<8x1024xf32, #tpu.memory_space<vmem>>
      %dma_start3A_87 = arith.constant 0 : i32
      %dma_start3A_88 = tpu.memref_slice %arg6[%mul3A_74, %dma_start3A_87] : memref<12288x1024xf32, #tpu.memory_space<hbm>> -> memref<8x1024xf32, #tpu.memory_space<hbm>>
      tpu.enqueue_dma source(%dma_start3A_88 : memref<8x1024xf32, #tpu.memory_space<hbm>>) target(%dma_start3A_86 : memref<8x1024xf32, #tpu.memory_space<vmem>>) target_semaphore(%dma_start3A_82 : memref<!tpu.dma_semaphore, #tpu.memory_space<semaphore_mem>>)
      %add3A_89 = arith.constant 0 : i32
      %add3A_90 = arith.constant 1 : i32
      %add3A_91 = arith.addi %add3A_89, %add3A_90 : i32
      %select_n3A_92 = arith.constant true
      %select_n3A_93 = arith.constant 0 : i32
      %select_n3A_94 = arith.select %select_n3A_92, %add3A_91, %select_n3A_93 : i32
      "tpu.trace_stop"() : () -> ()
      %scan3A_95 = arith.constant 0 : i32
      %scan3A_96 = arith.constant 0 : i32
      %scan3A_97 = arith.constant 0 : i32
      %scan3A_98 = arith.constant 0 : i32
      %scan3A_99 = arith.constant 0 : i32
      %scan3A_100 = arith.constant 0 : i32
      %scan3A_101 = arith.constant 8 : i32
      %scan3A_102 = arith.addi %scan3A_100, %scan3A_101 : i32
      %scan3A_103 = arith.constant 1 : i32
      %scan3A_104:7 = scf.for %scan3A_158 = %scan3A_100 to %scan3A_102 step %scan3A_103 iter_args(%scan3A_159 = %select_n3A_67, %scan3A_160 = %scan3A_95, %scan3A_161 = %select_n3A_94, %scan3A_162 = %scan3A_96, %scan3A_163 = %scan3A_97, %scan3A_164 = %scan3A_98, %scan3A_165 = %scan3A_99) -> (i32, i32, i32, i32, i32, i32, i32)  : i32 {
        %eq3A_166 = arith.constant 0 : i32
        %eq3A_167 = arith.cmpi eq, %scan3A_158, %eq3A_166 : i32
        %eq3A_168 = arith.constant 7 : i32
        %eq3A_169 = arith.cmpi eq, %scan3A_158, %eq3A_168 : i32
        %add3A_170 = arith.addi %scan3A_165, %mul3A_10 : i32
        %sub3A_171 = arith.constant 1 : i32
        %sub3A_172 = arith.subi %scan3A_165, %sub3A_171 : i32
        %select_n3A_173 = arith.constant true
        %select_n3A_174 = arith.select %select_n3A_173, %sub3A_172, %scan3A_165 : i32
        %eq3A_175 = arith.constant -1 : i32
        %eq3A_176 = arith.cmpi eq, %select_n3A_174, %eq3A_175 : i32
        %select_n3A_177 = arith.constant 7 : i32
        %select_n3A_178 = arith.select %eq3A_176, %select_n3A_177, %select_n3A_174 : i32
        %add3A_179 = arith.addi %select_n3A_178, %mul3A_10 : i32
        %add3A_180 = arith.constant 1 : i32
        %add3A_181 = arith.addi %scan3A_165, %add3A_180 : i32
        %select_n3A_182 = arith.constant true
        %select_n3A_183 = arith.select %select_n3A_182, %add3A_181, %scan3A_165 : i32
        %eq3A_184 = arith.constant 8 : i32
        %eq3A_185 = arith.cmpi eq, %select_n3A_183, %eq3A_184 : i32
        %select_n3A_186 = arith.constant 0 : i32
        %select_n3A_187 = arith.select %eq3A_185, %select_n3A_186, %select_n3A_183 : i32
        %add3A_188 = arith.addi %select_n3A_187, %mul3A_10 : i32
        %add3A_189 = arith.constant 1 : i32
        %add3A_190 = arith.addi %select_n3A_187, %add3A_189 : i32
        %select_n3A_191 = arith.constant true
        %select_n3A_192 = arith.select %select_n3A_191, %add3A_190, %select_n3A_187 : i32
        %eq3A_193 = arith.constant 8 : i32
        %eq3A_194 = arith.cmpi eq, %select_n3A_192, %eq3A_193 : i32
        %select_n3A_195 = arith.constant 0 : i32
        %select_n3A_196 = arith.select %eq3A_194, %select_n3A_195, %select_n3A_192 : i32
        %add3A_197 = arith.addi %select_n3A_196, %mul3A_10 : i32
        %add3A_198 = arith.constant 1280 : i32
        %add3A_199 = arith.addi %add3A_198, %add3A_170 : i32
        %add3A_200 = arith.constant 1280 : i32
        %add3A_201 = arith.addi %add3A_200, %add3A_188 : i32
        %ne3A = arith.cmpi ne, %add3A_199, %add3A_201 : i32
        %or3A = arith.constant false
        %or3A_202 = arith.ori %or3A, %ne3A : i1
        %or3A_203 = arith.constant false
        %or3A_204 = arith.ori %or3A_202, %or3A_203 : i1
        %ge3A = arith.constant 7 : i32
        %ge3A_205 = arith.cmpi sge, %scan3A_158, %ge3A : i32
        %not3A = arith.constant true
        %not3A_206 = arith.xori %ge3A_205, %not3A : i1
        %and3A = arith.andi %or3A_204, %not3A_206 : i1
        %convert_element_type3A = arith.extui %and3A : i1 to i32
        %cond3A = arith.constant 0 : i32
        %cond3A_207 = arith.cmpi ne, %convert_element_type3A, %cond3A : i32
        scf.if %cond3A_207 {
          "tpu.trace_start"() <{level = 10 : i32, message = "ep_copy_in"}> : () -> ()
          %rem3A_419 = arith.constant 2 : i32
          %rem3A_420 = arith.remui %scan3A_159, %rem3A_419 : i32
          %add3A_421 = arith.constant 1280 : i32
          %add3A_422 = arith.addi %add3A_421, %add3A_188 : i32
          %mul3A_423 = arith.constant 8 : i32
          %mul3A_424 = arith.muli %mul3A_423, %add3A_422 : i32
          %dma_start3A_425 = arith.constant 0 : i32
          %dma_start3A_426 = arith.constant 0 : i32
          %dma_start3A_427 = tpu.memref_slice %run_scoped3A[%rem3A_420, %dma_start3A_425, %dma_start3A_426] : memref<2x8x1024xf32, #tpu.memory_space<vmem>> -> memref<1x8x1024xf32, #tpu.memory_space<vmem>>
          %dma_start3A_428 = tpu.memref_squeeze %dma_start3A_427 : memref<1x8x1024xf32, #tpu.memory_space<vmem>> -> memref<8x1024xf32, #tpu.memory_space<vmem>>
          %dma_start3A_429 = arith.constant 0 : i32
          %dma_start3A_430 = tpu.memref_slice %arg5[%mul3A_424, %dma_start3A_429] : memref<12288x1024xf32, #tpu.memory_space<hbm>> -> memref<8x1024xf32, #tpu.memory_space<hbm>>
          %dma_start3A_431 = tpu.memref_slice %run_scoped3A_11[%rem3A_420] : memref<2x!tpu.dma_semaphore, #tpu.memory_space<semaphore_mem>> -> memref<1x!tpu.dma_semaphore, #tpu.memory_space<semaphore_mem>>
          %dma_start3A_432 = tpu.memref_squeeze %dma_start3A_431 : memref<1x!tpu.dma_semaphore, #tpu.memory_space<semaphore_mem>> -> memref<!tpu.dma_semaphore, #tpu.memory_space<semaphore_mem>>
          %dma_start3A_433 = arith.constant 0 : i32
          %dma_start3A_434 = arith.constant 0 : i32
          %dma_start3A_435 = tpu.memref_slice %run_scoped3A[%rem3A_420, %dma_start3A_433, %dma_start3A_434] : memref<2x8x1024xf32, #tpu.memory_space<vmem>> -> memref<1x8x1024xf32, #tpu.memory_space<vmem>>
          %dma_start3A_436 = tpu.memref_squeeze %dma_start3A_435 : memref<1x8x1024xf32, #tpu.memory_space<vmem>> -> memref<8x1024xf32, #tpu.memory_space<vmem>>
          %dma_start3A_437 = arith.constant 0 : i32
          %dma_start3A_438 = tpu.memref_slice %arg5[%mul3A_424, %dma_start3A_437] : memref<12288x1024xf32, #tpu.memory_space<hbm>> -> memref<8x1024xf32, #tpu.memory_space<hbm>>
          tpu.enqueue_dma source(%dma_start3A_438 : memref<8x1024xf32, #tpu.memory_space<hbm>>) target(%dma_start3A_436 : memref<8x1024xf32, #tpu.memory_space<vmem>>) target_semaphore(%dma_start3A_432 : memref<!tpu.dma_semaphore, #tpu.memory_space<semaphore_mem>>)
          "tpu.trace_stop"() : () -> ()
        } else {
        }
        %and3A_208 = arith.constant true
        %and3A_209 = arith.andi %and3A, %and3A_208 : i1
        %add3A_210 = arith.constant 1 : i32
        %add3A_211 = arith.addi %scan3A_159, %add3A_210 : i32
        %select_n3A_212 = arith.select %and3A_209, %add3A_211, %scan3A_159 : i32
        %add3A_213 = arith.constant 1280 : i32
        %add3A_214 = arith.addi %add3A_213, %add3A_170 : i32
        %add3A_215 = arith.constant 1280 : i32
        %add3A_216 = arith.addi %add3A_215, %add3A_188 : i32
        %ne3A_217 = arith.cmpi ne, %add3A_214, %add3A_216 : i32
        %or3A_218 = arith.constant false
        %or3A_219 = arith.ori %or3A_218, %ne3A_217 : i1
        %or3A_220 = arith.constant false
        %or3A_221 = arith.ori %or3A_219, %or3A_220 : i1
        %ge3A_222 = arith.constant 7 : i32
        %ge3A_223 = arith.cmpi sge, %scan3A_158, %ge3A_222 : i32
        %not3A_224 = arith.constant true
        %not3A_225 = arith.xori %ge3A_223, %not3A_224 : i1
        %and3A_226 = arith.andi %or3A_221, %not3A_225 : i1
        %convert_element_type3A_227 = arith.extui %and3A_226 : i1 to i32
        %cond3A_228 = arith.constant 0 : i32
        %cond3A_229 = arith.cmpi ne, %convert_element_type3A_227, %cond3A_228 : i32
        scf.if %cond3A_229 {
          "tpu.trace_start"() <{level = 10 : i32, message = "ep_copy_in"}> : () -> ()
          %rem3A_419 = arith.constant 2 : i32
          %rem3A_420 = arith.remui %scan3A_161, %rem3A_419 : i32
          %add3A_421 = arith.constant 1280 : i32
          %add3A_422 = arith.addi %add3A_421, %add3A_188 : i32
          %mul3A_423 = arith.constant 8 : i32
          %mul3A_424 = arith.muli %mul3A_423, %add3A_422 : i32
          %dma_start3A_425 = arith.constant 0 : i32
          %dma_start3A_426 = arith.constant 0 : i32
          %dma_start3A_427 = tpu.memref_slice %run_scoped3A_12[%rem3A_420, %dma_start3A_425, %dma_start3A_426] : memref<2x8x1024xf32, #tpu.memory_space<vmem>> -> memref<1x8x1024xf32, #tpu.memory_space<vmem>>
          %dma_start3A_428 = tpu.memref_squeeze %dma_start3A_427 : memref<1x8x1024xf32, #tpu.memory_space<vmem>> -> memref<8x1024xf32, #tpu.memory_space<vmem>>
          %dma_start3A_429 = arith.constant 0 : i32
          %dma_start3A_430 = tpu.memref_slice %arg6[%mul3A_424, %dma_start3A_429] : memref<12288x1024xf32, #tpu.memory_space<hbm>> -> memref<8x1024xf32, #tpu.memory_space<hbm>>
          %dma_start3A_431 = tpu.memref_slice %run_scoped3A_13[%rem3A_420] : memref<2x!tpu.dma_semaphore, #tpu.memory_space<semaphore_mem>> -> memref<1x!tpu.dma_semaphore, #tpu.memory_space<semaphore_mem>>
          %dma_start3A_432 = tpu.memref_squeeze %dma_start3A_431 : memref<1x!tpu.dma_semaphore, #tpu.memory_space<semaphore_mem>> -> memref<!tpu.dma_semaphore, #tpu.memory_space<semaphore_mem>>
          %dma_start3A_433 = arith.constant 0 : i32
          %dma_start3A_434 = arith.constant 0 : i32
          %dma_start3A_435 = tpu.memref_slice %run_scoped3A_12[%rem3A_420, %dma_start3A_433, %dma_start3A_434] : memref<2x8x1024xf32, #tpu.memory_space<vmem>> -> memref<1x8x1024xf32, #tpu.memory_space<vmem>>
          %dma_start3A_436 = tpu.memref_squeeze %dma_start3A_435 : memref<1x8x1024xf32, #tpu.memory_space<vmem>> -> memref<8x1024xf32, #tpu.memory_space<vmem>>
          %dma_start3A_437 = arith.constant 0 : i32
          %dma_start3A_438 = tpu.memref_slice %arg6[%mul3A_424, %dma_start3A_437] : memref<12288x1024xf32, #tpu.memory_space<hbm>> -> memref<8x1024xf32, #tpu.memory_space<hbm>>
          tpu.enqueue_dma source(%dma_start3A_438 : memref<8x1024xf32, #tpu.memory_space<hbm>>) target(%dma_start3A_436 : memref<8x1024xf32, #tpu.memory_space<vmem>>) target_semaphore(%dma_start3A_432 : memref<!tpu.dma_semaphore, #tpu.memory_space<semaphore_mem>>)
          "tpu.trace_stop"() : () -> ()
        } else {
        }
        %and3A_230 = arith.constant true
        %and3A_231 = arith.andi %and3A_226, %and3A_230 : i1
        %add3A_232 = arith.constant 1 : i32
        %add3A_233 = arith.addi %scan3A_161, %add3A_232 : i32
        %select_n3A_234 = arith.select %and3A_231, %add3A_233, %scan3A_161 : i32
        %ne3A_235 = arith.cmpi ne, %add3A_170, %add3A_188 : i32
        %or3A_236 = arith.constant false
        %or3A_237 = arith.ori %or3A_236, %ne3A_235 : i1
        %or3A_238 = arith.constant false
        %or3A_239 = arith.ori %or3A_237, %or3A_238 : i1
        %ge3A_240 = arith.constant 7 : i32
        %ge3A_241 = arith.cmpi sge, %scan3A_158, %ge3A_240 : i32
        %not3A_242 = arith.constant true
        %not3A_243 = arith.xori %ge3A_241, %not3A_242 : i1
        %and3A_244 = arith.andi %or3A_239, %not3A_243 : i1
        %add3A_245 = arith.constant 1280 : i32
        %add3A_246 = arith.addi %add3A_245, %add3A_170 : i32
        %add3A_247 = arith.constant 1280 : i32
        %add3A_248 = arith.addi %add3A_247, %add3A_179 : i32
        %ne3A_249 = arith.cmpi ne, %add3A_246, %add3A_248 : i32
        %or3A_250 = arith.constant false
        %or3A_251 = arith.ori %or3A_250, %ne3A_249 : i1
        %or3A_252 = arith.constant false
        %or3A_253 = arith.ori %or3A_251, %or3A_252 : i1
        %or3A_254 = arith.ori %or3A_253, %eq3A_167 : i1
        %convert_element_type3A_255 = arith.extui %or3A_254 : i1 to i32
        %cond3A_256 = arith.constant 0 : i32
        %cond3A_257 = arith.cmpi ne, %convert_element_type3A_255, %cond3A_256 : i32
        scf.if %cond3A_257 {
          "tpu.trace_start"() <{level = 10 : i32, message = "ep_wait_in"}> : () -> ()
          %add3A_419 = arith.constant 1280 : i32
          %add3A_420 = arith.addi %add3A_419, %add3A_170 : i32
          %mul3A_421 = arith.constant 8 : i32
          %mul3A_422 = arith.muli %mul3A_421, %add3A_420 : i32
          %rem3A_423 = arith.constant 2 : i32
          %rem3A_424 = arith.remui %scan3A_160, %rem3A_423 : i32
          %dma_wait3A_425 = arith.constant 0 : i32
          %dma_wait3A_426 = arith.constant 0 : i32
          %dma_wait3A_427 = tpu.memref_slice %run_scoped3A[%rem3A_424, %dma_wait3A_425, %dma_wait3A_426] : memref<2x8x1024xf32, #tpu.memory_space<vmem>> -> memref<1x8x1024xf32, #tpu.memory_space<vmem>>
          %dma_wait3A_428 = tpu.memref_squeeze %dma_wait3A_427 : memref<1x8x1024xf32, #tpu.memory_space<vmem>> -> memref<8x1024xf32, #tpu.memory_space<vmem>>
          %dma_wait3A_429 = arith.constant 0 : i32
          %dma_wait3A_430 = tpu.memref_slice %arg5[%mul3A_422, %dma_wait3A_429] : memref<12288x1024xf32, #tpu.memory_space<hbm>> -> memref<8x1024xf32, #tpu.memory_space<hbm>>
          %dma_wait3A_431 = tpu.memref_slice %run_scoped3A_11[%rem3A_424] : memref<2x!tpu.dma_semaphore, #tpu.memory_space<semaphore_mem>> -> memref<1x!tpu.dma_semaphore, #tpu.memory_space<semaphore_mem>>
          %dma_wait3A_432 = tpu.memref_squeeze %dma_wait3A_431 : memref<1x!tpu.dma_semaphore, #tpu.memory_space<semaphore_mem>> -> memref<!tpu.dma_semaphore, #tpu.memory_space<semaphore_mem>>
          %dma_wait3A_433 = arith.constant 0 : i32
          %dma_wait3A_434 = arith.constant 0 : i32
          %dma_wait3A_435 = tpu.memref_slice %run_scoped3A[%rem3A_424, %dma_wait3A_433, %dma_wait3A_434] : memref<2x8x1024xf32, #tpu.memory_space<vmem>> -> memref<1x8x1024xf32, #tpu.memory_space<vmem>>
          %dma_wait3A_436 = tpu.memref_squeeze %dma_wait3A_435 : memref<1x8x1024xf32, #tpu.memory_space<vmem>> -> memref<8x1024xf32, #tpu.memory_space<vmem>>
          %dma_wait3A_437 = arith.constant 0 : i32
          %dma_wait3A_438 = tpu.memref_slice %arg5[%mul3A_422, %dma_wait3A_437] : memref<12288x1024xf32, #tpu.memory_space<hbm>> -> memref<8x1024xf32, #tpu.memory_space<hbm>>
          tpu.wait_dma2 semaphore(%dma_wait3A_432 : memref<!tpu.dma_semaphore, #tpu.memory_space<semaphore_mem>>) src(%dma_wait3A_438 : memref<8x1024xf32, #tpu.memory_space<hbm>>) dst(%dma_wait3A_436 : memref<8x1024xf32, #tpu.memory_space<vmem>>)
          "tpu.trace_stop"() : () -> ()
        } else {
        }
        %add3A_258 = arith.constant 1280 : i32
        %add3A_259 = arith.addi %add3A_258, %add3A_170 : i32
        %add3A_260 = arith.constant 1280 : i32
        %add3A_261 = arith.addi %add3A_260, %add3A_179 : i32
        %ne3A_262 = arith.cmpi ne, %add3A_259, %add3A_261 : i32
        %or3A_263 = arith.constant false
        %or3A_264 = arith.ori %or3A_263, %ne3A_262 : i1
        %or3A_265 = arith.constant false
        %or3A_266 = arith.ori %or3A_264, %or3A_265 : i1
        %or3A_267 = arith.ori %or3A_266, %eq3A_167 : i1
        %convert_element_type3A_268 = arith.extui %or3A_267 : i1 to i32
        %cond3A_269 = arith.constant 0 : i32
        %cond3A_270 = arith.cmpi ne, %convert_element_type3A_268, %cond3A_269 : i32
        scf.if %cond3A_270 {
          "tpu.trace_start"() <{level = 10 : i32, message = "ep_wait_in"}> : () -> ()
          %add3A_419 = arith.constant 1280 : i32
          %add3A_420 = arith.addi %add3A_419, %add3A_170 : i32
          %mul3A_421 = arith.constant 8 : i32
          %mul3A_422 = arith.muli %mul3A_421, %add3A_420 : i32
          %rem3A_423 = arith.constant 2 : i32
          %rem3A_424 = arith.remui %scan3A_162, %rem3A_423 : i32
          %dma_wait3A_425 = arith.constant 0 : i32
          %dma_wait3A_426 = arith.constant 0 : i32
          %dma_wait3A_427 = tpu.memref_slice %run_scoped3A_12[%rem3A_424, %dma_wait3A_425, %dma_wait3A_426] : memref<2x8x1024xf32, #tpu.memory_space<vmem>> -> memref<1x8x1024xf32, #tpu.memory_space<vmem>>
          %dma_wait3A_428 = tpu.memref_squeeze %dma_wait3A_427 : memref<1x8x1024xf32, #tpu.memory_space<vmem>> -> memref<8x1024xf32, #tpu.memory_space<vmem>>
          %dma_wait3A_429 = arith.constant 0 : i32
          %dma_wait3A_430 = tpu.memref_slice %arg6[%mul3A_422, %dma_wait3A_429] : memref<12288x1024xf32, #tpu.memory_space<hbm>> -> memref<8x1024xf32, #tpu.memory_space<hbm>>
          %dma_wait3A_431 = tpu.memref_slice %run_scoped3A_13[%rem3A_424] : memref<2x!tpu.dma_semaphore, #tpu.memory_space<semaphore_mem>> -> memref<1x!tpu.dma_semaphore, #tpu.memory_space<semaphore_mem>>
          %dma_wait3A_432 = tpu.memref_squeeze %dma_wait3A_431 : memref<1x!tpu.dma_semaphore, #tpu.memory_space<semaphore_mem>> -> memref<!tpu.dma_semaphore, #tpu.memory_space<semaphore_mem>>
          %dma_wait3A_433 = arith.constant 0 : i32
          %dma_wait3A_434 = arith.constant 0 : i32
          %dma_wait3A_435 = tpu.memref_slice %run_scoped3A_12[%rem3A_424, %dma_wait3A_433, %dma_wait3A_434] : memref<2x8x1024xf32, #tpu.memory_space<vmem>> -> memref<1x8x1024xf32, #tpu.memory_space<vmem>>
          %dma_wait3A_436 = tpu.memref_squeeze %dma_wait3A_435 : memref<1x8x1024xf32, #tpu.memory_space<vmem>> -> memref<8x1024xf32, #tpu.memory_space<vmem>>
          %dma_wait3A_437 = arith.constant 0 : i32
          %dma_wait3A_438 = tpu.memref_slice %arg6[%mul3A_422, %dma_wait3A_437] : memref<12288x1024xf32, #tpu.memory_space<hbm>> -> memref<8x1024xf32, #tpu.memory_space<hbm>>
          tpu.wait_dma2 semaphore(%dma_wait3A_432 : memref<!tpu.dma_semaphore, #tpu.memory_space<semaphore_mem>>) src(%dma_wait3A_438 : memref<8x1024xf32, #tpu.memory_space<hbm>>) dst(%dma_wait3A_436 : memref<8x1024xf32, #tpu.memory_space<vmem>>)
          "tpu.trace_stop"() : () -> ()
        } else {
        }
        %ne3A_271 = arith.cmpi ne, %add3A_170, %add3A_179 : i32
        %or3A_272 = arith.constant false
        %or3A_273 = arith.ori %or3A_272, %ne3A_271 : i1
        %or3A_274 = arith.constant false
        %or3A_275 = arith.ori %or3A_273, %or3A_274 : i1
        %or3A_276 = arith.ori %or3A_275, %eq3A_167 : i1
        %convert_element_type3A_277 = arith.extui %or3A_276 : i1 to i32
        %cond3A_278 = arith.constant 0 : i32
        %cond3A_279 = arith.cmpi ne, %convert_element_type3A_277, %cond3A_278 : i32
        scf.if %cond3A_279 {
        } else {
        }
        %rem3A_280 = arith.constant 2 : i32
        %rem3A_281 = arith.remui %scan3A_160, %rem3A_280 : i32
        %rem3A_282 = arith.constant 2 : i32
        %rem3A_283 = arith.remui %scan3A_162, %rem3A_282 : i32
        %rem3A_284 = arith.constant 2 : i32
        %rem3A_285 = arith.remui %scan3A_163, %rem3A_284 : i32
        "tpu.trace_start"() <{level = 10 : i32, message = "ep_run_kernel"}> : () -> ()
        %scan3A_286 = arith.constant 0 : i32
        %scan3A_287 = arith.constant 64 : i32
        %scan3A_288 = arith.addi %scan3A_286, %scan3A_287 : i32
        %scan3A_289 = arith.constant 1 : i32
        scf.for %scan3A_419 = %scan3A_286 to %scan3A_288 step %scan3A_289  : i32 {
          %mul3A_420 = arith.constant 16 : i32
          %mul3A_421 = arith.muli %scan3A_419, %mul3A_420 : i32
          %add3A_422 = arith.constant 0 : i32
          %add3A_423 = arith.addi %add3A_422, %mul3A_421 : i32
          %get3A = arith.index_cast %add3A_423 : i32 to index
          %get3A_424 = tpu.vector_load %arg11[%get3A] {strides = array<i32>} : memref<1024xf32, #tpu.memory_space<vmem>>, vector<16xf32>,
          %get3A_425 = arith.index_cast %add3A_423 : i32 to index
          %get3A_426 = tpu.vector_load %arg12[%get3A_425] {strides = array<i32>} : memref<1024xf32, #tpu.memory_space<vmem>>, vector<16xf32>,
          %get3A_427 = arith.constant 0 : i32
          %get3A_428 = arith.constant 0 : i32
          %get3A_429 = arith.constant 0 : i32
          %get3A_430 = tpu.memref_slice %run_scoped3A[%rem3A_281, %get3A_428, %get3A_429] : memref<2x8x1024xf32, #tpu.memory_space<vmem>> -> memref<1x8x1024xf32, #tpu.memory_space<vmem>>
          %get3A_431 = tpu.memref_squeeze %get3A_430 : memref<1x8x1024xf32, #tpu.memory_space<vmem>> -> memref<8x1024xf32, #tpu.memory_space<vmem>>
          %get3A_432 = arith.index_cast %get3A_427 : i32 to index
          %get3A_433 = arith.index_cast %add3A_423 : i32 to index
          %get3A_434 = tpu.vector_load %get3A_431[%get3A_432, %get3A_433] {strides = array<i32>} : memref<8x1024xf32, #tpu.memory_space<vmem>>, vector<16xf32>,
          %mul3A_435 = arith.mulf %get3A_424, %get3A_434 : vector<16xf32>
          %get3A_436 = arith.constant 0 : i32
          %get3A_437 = arith.constant 0 : i32
          %get3A_438 = arith.constant 0 : i32
          %get3A_439 = tpu.memref_slice %run_scoped3A_12[%rem3A_283, %get3A_437, %get3A_438] : memref<2x8x1024xf32, #tpu.memory_space<vmem>> -> memref<1x8x1024xf32, #tpu.memory_space<vmem>>
          %get3A_440 = tpu.memref_squeeze %get3A_439 : memref<1x8x1024xf32, #tpu.memory_space<vmem>> -> memref<8x1024xf32, #tpu.memory_space<vmem>>
          %get3A_441 = arith.index_cast %get3A_436 : i32 to index
          %get3A_442 = arith.index_cast %add3A_423 : i32 to index
          %get3A_443 = tpu.vector_load %get3A_440[%get3A_441, %get3A_442] {strides = array<i32>} : memref<8x1024xf32, #tpu.memory_space<vmem>>, vector<16xf32>,
          %mul3A_444 = arith.mulf %get3A_426, %get3A_443 : vector<16xf32>
          %add3A_445 = arith.addf %mul3A_435, %mul3A_444 : vector<16xf32>
          %swap3A = arith.constant 0 : i32
          %swap3A_446 = arith.constant 0 : i32
          %swap3A_447 = arith.constant 0 : i32
          %swap3A_448 = tpu.memref_slice %run_scoped3A_14[%rem3A_285, %swap3A_446, %swap3A_447] : memref<2x8x1024xf32, #tpu.memory_space<vmem>> -> memref<1x8x1024xf32, #tpu.memory_space<vmem>>
          %swap3A_449 = tpu.memref_squeeze %swap3A_448 : memref<1x8x1024xf32, #tpu.memory_space<vmem>> -> memref<8x1024xf32, #tpu.memory_space<vmem>>
          %swap3A_450 = arith.index_cast %swap3A : i32 to index
          %swap3A_451 = arith.index_cast %add3A_423 : i32 to index
          %swap3A_452 = tpu.vector_load %swap3A_449[%swap3A_450, %swap3A_451] {strides = array<i32>} : memref<8x1024xf32, #tpu.memory_space<vmem>>, vector<16xf32>,
          tpu.vector_store %swap3A_449[%swap3A_450, %swap3A_451], %add3A_445 {strides = array<i32>} : memref<8x1024xf32, #tpu.memory_space<vmem>>, vector<16xf32>,
          %get3A_453 = arith.constant 1 : i32
          %get3A_454 = arith.constant 0 : i32
          %get3A_455 = arith.constant 0 : i32
          %get3A_456 = tpu.memref_slice %run_scoped3A[%rem3A_281, %get3A_454, %get3A_455] : memref<2x8x1024xf32, #tpu.memory_space<vmem>> -> memref<1x8x1024xf32, #tpu.memory_space<vmem>>
          %get3A_457 = tpu.memref_squeeze %get3A_456 : memref<1x8x1024xf32, #tpu.memory_space<vmem>> -> memref<8x1024xf32, #tpu.memory_space<vmem>>
          %get3A_458 = arith.index_cast %get3A_453 : i32 to index
          %get3A_459 = arith.index_cast %add3A_423 : i32 to index
          %get3A_460 = tpu.vector_load %get3A_457[%get3A_458, %get3A_459] {strides = array<i32>} : memref<8x1024xf32, #tpu.memory_space<vmem>>, vector<16xf32>,
          %mul3A_461 = arith.mulf %get3A_424, %get3A_460 : vector<16xf32>
          %get3A_462 = arith.constant 1 : i32
          %get3A_463 = arith.constant 0 : i32
          %get3A_464 = arith.constant 0 : i32
          %get3A_465 = tpu.memref_slice %run_scoped3A_12[%rem3A_283, %get3A_463, %get3A_464] : memref<2x8x1024xf32, #tpu.memory_space<vmem>> -> memref<1x8x1024xf32, #tpu.memory_space<vmem>>
          %get3A_466 = tpu.memref_squeeze %get3A_465 : memref<1x8x1024xf32, #tpu.memory_space<vmem>> -> memref<8x1024xf32, #tpu.memory_space<vmem>>
          %get3A_467 = arith.index_cast %get3A_462 : i32 to index
          %get3A_468 = arith.index_cast %add3A_423 : i32 to index
          %get3A_469 = tpu.vector_load %get3A_466[%get3A_467, %get3A_468] {strides = array<i32>} : memref<8x1024xf32, #tpu.memory_space<vmem>>, vector<16xf32>,
          %mul3A_470 = arith.mulf %get3A_426, %get3A_469 : vector<16xf32>
          %add3A_471 = arith.addf %mul3A_461, %mul3A_470 : vector<16xf32>
          %swap3A_472 = arith.constant 1 : i32
          %swap3A_473 = arith.constant 0 : i32
          %swap3A_474 = arith.constant 0 : i32
          %swap3A_475 = tpu.memref_slice %run_scoped3A_14[%rem3A_285, %swap3A_473, %swap3A_474] : memref<2x8x1024xf32, #tpu.memory_space<vmem>> -> memref<1x8x1024xf32, #tpu.memory_space<vmem>>
          %swap3A_476 = tpu.memref_squeeze %swap3A_475 : memref<1x8x1024xf32, #tpu.memory_space<vmem>> -> memref<8x1024xf32, #tpu.memory_space<vmem>>
          %swap3A_477 = arith.index_cast %swap3A_472 : i32 to index
          %swap3A_478 = arith.index_cast %add3A_423 : i32 to index
          %swap3A_479 = tpu.vector_load %swap3A_476[%swap3A_477, %swap3A_478] {strides = array<i32>} : memref<8x1024xf32, #tpu.memory_space<vmem>>, vector<16xf32>,
          tpu.vector_store %swap3A_476[%swap3A_477, %swap3A_478], %add3A_471 {strides = array<i32>} : memref<8x1024xf32, #tpu.memory_space<vmem>>, vector<16xf32>,
          %get3A_480 = arith.constant 2 : i32
          %get3A_481 = arith.constant 0 : i32
          %get3A_482 = arith.constant 0 : i32
          %get3A_483 = tpu.memref_slice %run_scoped3A[%rem3A_281, %get3A_481, %get3A_482] : memref<2x8x1024xf32, #tpu.memory_space<vmem>> -> memref<1x8x1024xf32, #tpu.memory_space<vmem>>
          %get3A_484 = tpu.memref_squeeze %get3A_483 : memref<1x8x1024xf32, #tpu.memory_space<vmem>> -> memref<8x1024xf32, #tpu.memory_space<vmem>>
          %get3A_485 = arith.index_cast %get3A_480 : i32 to index
          %get3A_486 = arith.index_cast %add3A_423 : i32 to index
          %get3A_487 = tpu.vector_load %get3A_484[%get3A_485, %get3A_486] {strides = array<i32>} : memref<8x1024xf32, #tpu.memory_space<vmem>>, vector<16xf32>,
          %mul3A_488 = arith.mulf %get3A_424, %get3A_487 : vector<16xf32>
          %get3A_489 = arith.constant 2 : i32
          %get3A_490 = arith.constant 0 : i32
          %get3A_491 = arith.constant 0 : i32
          %get3A_492 = tpu.memref_slice %run_scoped3A_12[%rem3A_283, %get3A_490, %get3A_491] : memref<2x8x1024xf32, #tpu.memory_space<vmem>> -> memref<1x8x1024xf32, #tpu.memory_space<vmem>>
          %get3A_493 = tpu.memref_squeeze %get3A_492 : memref<1x8x1024xf32, #tpu.memory_space<vmem>> -> memref<8x1024xf32, #tpu.memory_space<vmem>>
          %get3A_494 = arith.index_cast %get3A_489 : i32 to index
          %get3A_495 = arith.index_cast %add3A_423 : i32 to index
          %get3A_496 = tpu.vector_load %get3A_493[%get3A_494, %get3A_495] {strides = array<i32>} : memref<8x1024xf32, #tpu.memory_space<vmem>>, vector<16xf32>,
          %mul3A_497 = arith.mulf %get3A_426, %get3A_496 : vector<16xf32>
          %add3A_498 = arith.addf %mul3A_488, %mul3A_497 : vector<16xf32>
          %swap3A_499 = arith.constant 2 : i32
          %swap3A_500 = arith.constant 0 : i32
          %swap3A_501 = arith.constant 0 : i32
          %swap3A_502 = tpu.memref_slice %run_scoped3A_14[%rem3A_285, %swap3A_500, %swap3A_501] : memref<2x8x1024xf32, #tpu.memory_space<vmem>> -> memref<1x8x1024xf32, #tpu.memory_space<vmem>>
          %swap3A_503 = tpu.memref_squeeze %swap3A_502 : memref<1x8x1024xf32, #tpu.memory_space<vmem>> -> memref<8x1024xf32, #tpu.memory_space<vmem>>
          %swap3A_504 = arith.index_cast %swap3A_499 : i32 to index
          %swap3A_505 = arith.index_cast %add3A_423 : i32 to index
          %swap3A_506 = tpu.vector_load %swap3A_503[%swap3A_504, %swap3A_505] {strides = array<i32>} : memref<8x1024xf32, #tpu.memory_space<vmem>>, vector<16xf32>,
          tpu.vector_store %swap3A_503[%swap3A_504, %swap3A_505], %add3A_498 {strides = array<i32>} : memref<8x1024xf32, #tpu.memory_space<vmem>>, vector<16xf32>,
          %get3A_507 = arith.constant 3 : i32
          %get3A_508 = arith.constant 0 : i32
          %get3A_509 = arith.constant 0 : i32
          %get3A_510 = tpu.memref_slice %run_scoped3A[%rem3A_281, %get3A_508, %get3A_509] : memref<2x8x1024xf32, #tpu.memory_space<vmem>> -> memref<1x8x1024xf32, #tpu.memory_space<vmem>>
          %get3A_511 = tpu.memref_squeeze %get3A_510 : memref<1x8x1024xf32, #tpu.memory_space<vmem>> -> memref<8x1024xf32, #tpu.memory_space<vmem>>
          %get3A_512 = arith.index_cast %get3A_507 : i32 to index
          %get3A_513 = arith.index_cast %add3A_423 : i32 to index
          %get3A_514 = tpu.vector_load %get3A_511[%get3A_512, %get3A_513] {strides = array<i32>} : memref<8x1024xf32, #tpu.memory_space<vmem>>, vector<16xf32>,
          %mul3A_515 = arith.mulf %get3A_424, %get3A_514 : vector<16xf32>
          %get3A_516 = arith.constant 3 : i32
          %get3A_517 = arith.constant 0 : i32
          %get3A_518 = arith.constant 0 : i32
          %get3A_519 = tpu.memref_slice %run_scoped3A_12[%rem3A_283, %get3A_517, %get3A_518] : memref<2x8x1024xf32, #tpu.memory_space<vmem>> -> memref<1x8x1024xf32, #tpu.memory_space<vmem>>
          %get3A_520 = tpu.memref_squeeze %get3A_519 : memref<1x8x1024xf32, #tpu.memory_space<vmem>> -> memref<8x1024xf32, #tpu.memory_space<vmem>>
          %get3A_521 = arith.index_cast %get3A_516 : i32 to index
          %get3A_522 = arith.index_cast %add3A_423 : i32 to index
          %get3A_523 = tpu.vector_load %get3A_520[%get3A_521, %get3A_522] {strides = array<i32>} : memref<8x1024xf32, #tpu.memory_space<vmem>>, vector<16xf32>,
          %mul3A_524 = arith.mulf %get3A_426, %get3A_523 : vector<16xf32>
          %add3A_525 = arith.addf %mul3A_515, %mul3A_524 : vector<16xf32>
          %swap3A_526 = arith.constant 3 : i32
          %swap3A_527 = arith.constant 0 : i32
          %swap3A_528 = arith.constant 0 : i32
          %swap3A_529 = tpu.memref_slice %run_scoped3A_14[%rem3A_285, %swap3A_527, %swap3A_528] : memref<2x8x1024xf32, #tpu.memory_space<vmem>> -> memref<1x8x1024xf32, #tpu.memory_space<vmem>>
          %swap3A_530 = tpu.memref_squeeze %swap3A_529 : memref<1x8x1024xf32, #tpu.memory_space<vmem>> -> memref<8x1024xf32, #tpu.memory_space<vmem>>
          %swap3A_531 = arith.index_cast %swap3A_526 : i32 to index
          %swap3A_532 = arith.index_cast %add3A_423 : i32 to index
          %swap3A_533 = tpu.vector_load %swap3A_530[%swap3A_531, %swap3A_532] {strides = array<i32>} : memref<8x1024xf32, #tpu.memory_space<vmem>>, vector<16xf32>,
          tpu.vector_store %swap3A_530[%swap3A_531, %swap3A_532], %add3A_525 {strides = array<i32>} : memref<8x1024xf32, #tpu.memory_space<vmem>>, vector<16xf32>,
          %get3A_534 = arith.constant 4 : i32
          %get3A_535 = arith.constant 0 : i32
          %get3A_536 = arith.constant 0 : i32
          %get3A_537 = tpu.memref_slice %run_scoped3A[%rem3A_281, %get3A_535, %get3A_536] : memref<2x8x1024xf32, #tpu.memory_space<vmem>> -> memref<1x8x1024xf32, #tpu.memory_space<vmem>>
          %get3A_538 = tpu.memref_squeeze %get3A_537 : memref<1x8x1024xf32, #tpu.memory_space<vmem>> -> memref<8x1024xf32, #tpu.memory_space<vmem>>
          %get3A_539 = arith.index_cast %get3A_534 : i32 to index
          %get3A_540 = arith.index_cast %add3A_423 : i32 to index
          %get3A_541 = tpu.vector_load %get3A_538[%get3A_539, %get3A_540] {strides = array<i32>} : memref<8x1024xf32, #tpu.memory_space<vmem>>, vector<16xf32>,
          %mul3A_542 = arith.mulf %get3A_424, %get3A_541 : vector<16xf32>
          %get3A_543 = arith.constant 4 : i32
          %get3A_544 = arith.constant 0 : i32
          %get3A_545 = arith.constant 0 : i32
          %get3A_546 = tpu.memref_slice %run_scoped3A_12[%rem3A_283, %get3A_544, %get3A_545] : memref<2x8x1024xf32, #tpu.memory_space<vmem>> -> memref<1x8x1024xf32, #tpu.memory_space<vmem>>
          %get3A_547 = tpu.memref_squeeze %get3A_546 : memref<1x8x1024xf32, #tpu.memory_space<vmem>> -> memref<8x1024xf32, #tpu.memory_space<vmem>>
          %get3A_548 = arith.index_cast %get3A_543 : i32 to index
          %get3A_549 = arith.index_cast %add3A_423 : i32 to index
          %get3A_550 = tpu.vector_load %get3A_547[%get3A_548, %get3A_549] {strides = array<i32>} : memref<8x1024xf32, #tpu.memory_space<vmem>>, vector<16xf32>,
          %mul3A_551 = arith.mulf %get3A_426, %get3A_550 : vector<16xf32>
          %add3A_552 = arith.addf %mul3A_542, %mul3A_551 : vector<16xf32>
          %swap3A_553 = arith.constant 4 : i32
          %swap3A_554 = arith.constant 0 : i32
          %swap3A_555 = arith.constant 0 : i32
          %swap3A_556 = tpu.memref_slice %run_scoped3A_14[%rem3A_285, %swap3A_554, %swap3A_555] : memref<2x8x1024xf32, #tpu.memory_space<vmem>> -> memref<1x8x1024xf32, #tpu.memory_space<vmem>>
          %swap3A_557 = tpu.memref_squeeze %swap3A_556 : memref<1x8x1024xf32, #tpu.memory_space<vmem>> -> memref<8x1024xf32, #tpu.memory_space<vmem>>
          %swap3A_558 = arith.index_cast %swap3A_553 : i32 to index
          %swap3A_559 = arith.index_cast %add3A_423 : i32 to index
          %swap3A_560 = tpu.vector_load %swap3A_557[%swap3A_558, %swap3A_559] {strides = array<i32>} : memref<8x1024xf32, #tpu.memory_space<vmem>>, vector<16xf32>,
          tpu.vector_store %swap3A_557[%swap3A_558, %swap3A_559], %add3A_552 {strides = array<i32>} : memref<8x1024xf32, #tpu.memory_space<vmem>>, vector<16xf32>,
          %get3A_561 = arith.constant 5 : i32
          %get3A_562 = arith.constant 0 : i32
          %get3A_563 = arith.constant 0 : i32
          %get3A_564 = tpu.memref_slice %run_scoped3A[%rem3A_281, %get3A_562, %get3A_563] : memref<2x8x1024xf32, #tpu.memory_space<vmem>> -> memref<1x8x1024xf32, #tpu.memory_space<vmem>>
          %get3A_565 = tpu.memref_squeeze %get3A_564 : memref<1x8x1024xf32, #tpu.memory_space<vmem>> -> memref<8x1024xf32, #tpu.memory_space<vmem>>
          %get3A_566 = arith.index_cast %get3A_561 : i32 to index
          %get3A_567 = arith.index_cast %add3A_423 : i32 to index
          %get3A_568 = tpu.vector_load %get3A_565[%get3A_566, %get3A_567] {strides = array<i32>} : memref<8x1024xf32, #tpu.memory_space<vmem>>, vector<16xf32>,
          %mul3A_569 = arith.mulf %get3A_424, %get3A_568 : vector<16xf32>
          %get3A_570 = arith.constant 5 : i32
          %get3A_571 = arith.constant 0 : i32
          %get3A_572 = arith.constant 0 : i32
          %get3A_573 = tpu.memref_slice %run_scoped3A_12[%rem3A_283, %get3A_571, %get3A_572] : memref<2x8x1024xf32, #tpu.memory_space<vmem>> -> memref<1x8x1024xf32, #tpu.memory_space<vmem>>
          %get3A_574 = tpu.memref_squeeze %get3A_573 : memref<1x8x1024xf32, #tpu.memory_space<vmem>> -> memref<8x1024xf32, #tpu.memory_space<vmem>>
          %get3A_575 = arith.index_cast %get3A_570 : i32 to index
          %get3A_576 = arith.index_cast %add3A_423 : i32 to index
          %get3A_577 = tpu.vector_load %get3A_574[%get3A_575, %get3A_576] {strides = array<i32>} : memref<8x1024xf32, #tpu.memory_space<vmem>>, vector<16xf32>,
          %mul3A_578 = arith.mulf %get3A_426, %get3A_577 : vector<16xf32>
          %add3A_579 = arith.addf %mul3A_569, %mul3A_578 : vector<16xf32>
          %swap3A_580 = arith.constant 5 : i32
          %swap3A_581 = arith.constant 0 : i32
          %swap3A_582 = arith.constant 0 : i32
          %swap3A_583 = tpu.memref_slice %run_scoped3A_14[%rem3A_285, %swap3A_581, %swap3A_582] : memref<2x8x1024xf32, #tpu.memory_space<vmem>> -> memref<1x8x1024xf32, #tpu.memory_space<vmem>>
          %swap3A_584 = tpu.memref_squeeze %swap3A_583 : memref<1x8x1024xf32, #tpu.memory_space<vmem>> -> memref<8x1024xf32, #tpu.memory_space<vmem>>
          %swap3A_585 = arith.index_cast %swap3A_580 : i32 to index
          %swap3A_586 = arith.index_cast %add3A_423 : i32 to index
          %swap3A_587 = tpu.vector_load %swap3A_584[%swap3A_585, %swap3A_586] {strides = array<i32>} : memref<8x1024xf32, #tpu.memory_space<vmem>>, vector<16xf32>,
          tpu.vector_store %swap3A_584[%swap3A_585, %swap3A_586], %add3A_579 {strides = array<i32>} : memref<8x1024xf32, #tpu.memory_space<vmem>>, vector<16xf32>,
          %get3A_588 = arith.constant 6 : i32
          %get3A_589 = arith.constant 0 : i32
          %get3A_590 = arith.constant 0 : i32
          %get3A_591 = tpu.memref_slice %run_scoped3A[%rem3A_281, %get3A_589, %get3A_590] : memref<2x8x1024xf32, #tpu.memory_space<vmem>> -> memref<1x8x1024xf32, #tpu.memory_space<vmem>>
          %get3A_592 = tpu.memref_squeeze %get3A_591 : memref<1x8x1024xf32, #tpu.memory_space<vmem>> -> memref<8x1024xf32, #tpu.memory_space<vmem>>
          %get3A_593 = arith.index_cast %get3A_588 : i32 to index
          %get3A_594 = arith.index_cast %add3A_423 : i32 to index
          %get3A_595 = tpu.vector_load %get3A_592[%get3A_593, %get3A_594] {strides = array<i32>} : memref<8x1024xf32, #tpu.memory_space<vmem>>, vector<16xf32>,
          %mul3A_596 = arith.mulf %get3A_424, %get3A_595 : vector<16xf32>
          %get3A_597 = arith.constant 6 : i32
          %get3A_598 = arith.constant 0 : i32
          %get3A_599 = arith.constant 0 : i32
          %get3A_600 = tpu.memref_slice %run_scoped3A_12[%rem3A_283, %get3A_598, %get3A_599] : memref<2x8x1024xf32, #tpu.memory_space<vmem>> -> memref<1x8x1024xf32, #tpu.memory_space<vmem>>
          %get3A_601 = tpu.memref_squeeze %get3A_600 : memref<1x8x1024xf32, #tpu.memory_space<vmem>> -> memref<8x1024xf32, #tpu.memory_space<vmem>>
          %get3A_602 = arith.index_cast %get3A_597 : i32 to index
          %get3A_603 = arith.index_cast %add3A_423 : i32 to index
          %get3A_604 = tpu.vector_load %get3A_601[%get3A_602, %get3A_603] {strides = array<i32>} : memref<8x1024xf32, #tpu.memory_space<vmem>>, vector<16xf32>,
          %mul3A_605 = arith.mulf %get3A_426, %get3A_604 : vector<16xf32>
          %add3A_606 = arith.addf %mul3A_596, %mul3A_605 : vector<16xf32>
          %swap3A_607 = arith.constant 6 : i32
          %swap3A_608 = arith.constant 0 : i32
          %swap3A_609 = arith.constant 0 : i32
          %swap3A_610 = tpu.memref_slice %run_scoped3A_14[%rem3A_285, %swap3A_608, %swap3A_609] : memref<2x8x1024xf32, #tpu.memory_space<vmem>> -> memref<1x8x1024xf32, #tpu.memory_space<vmem>>
          %swap3A_611 = tpu.memref_squeeze %swap3A_610 : memref<1x8x1024xf32, #tpu.memory_space<vmem>> -> memref<8x1024xf32, #tpu.memory_space<vmem>>
          %swap3A_612 = arith.index_cast %swap3A_607 : i32 to index
          %swap3A_613 = arith.index_cast %add3A_423 : i32 to index
          %swap3A_614 = tpu.vector_load %swap3A_611[%swap3A_612, %swap3A_613] {strides = array<i32>} : memref<8x1024xf32, #tpu.memory_space<vmem>>, vector<16xf32>,
          tpu.vector_store %swap3A_611[%swap3A_612, %swap3A_613], %add3A_606 {strides = array<i32>} : memref<8x1024xf32, #tpu.memory_space<vmem>>, vector<16xf32>,
          %get3A_615 = arith.constant 7 : i32
          %get3A_616 = arith.constant 0 : i32
          %get3A_617 = arith.constant 0 : i32
          %get3A_618 = tpu.memref_slice %run_scoped3A[%rem3A_281, %get3A_616, %get3A_617] : memref<2x8x1024xf32, #tpu.memory_space<vmem>> -> memref<1x8x1024xf32, #tpu.memory_space<vmem>>
          %get3A_619 = tpu.memref_squeeze %get3A_618 : memref<1x8x1024xf32, #tpu.memory_space<vmem>> -> memref<8x1024xf32, #tpu.memory_space<vmem>>
          %get3A_620 = arith.index_cast %get3A_615 : i32 to index
          %get3A_621 = arith.index_cast %add3A_423 : i32 to index
          %get3A_622 = tpu.vector_load %get3A_619[%get3A_620, %get3A_621] {strides = array<i32>} : memref<8x1024xf32, #tpu.memory_space<vmem>>, vector<16xf32>,
          %mul3A_623 = arith.mulf %get3A_424, %get3A_622 : vector<16xf32>
          %get3A_624 = arith.constant 7 : i32
          %get3A_625 = arith.constant 0 : i32
          %get3A_626 = arith.constant 0 : i32
          %get3A_627 = tpu.memref_slice %run_scoped3A_12[%rem3A_283, %get3A_625, %get3A_626] : memref<2x8x1024xf32, #tpu.memory_space<vmem>> -> memref<1x8x1024xf32, #tpu.memory_space<vmem>>
          %get3A_628 = tpu.memref_squeeze %get3A_627 : memref<1x8x1024xf32, #tpu.memory_space<vmem>> -> memref<8x1024xf32, #tpu.memory_space<vmem>>
          %get3A_629 = arith.index_cast %get3A_624 : i32 to index
          %get3A_630 = arith.index_cast %add3A_423 : i32 to index
          %get3A_631 = tpu.vector_load %get3A_628[%get3A_629, %get3A_630] {strides = array<i32>} : memref<8x1024xf32, #tpu.memory_space<vmem>>, vector<16xf32>,
          %mul3A_632 = arith.mulf %get3A_426, %get3A_631 : vector<16xf32>
          %add3A_633 = arith.addf %mul3A_623, %mul3A_632 : vector<16xf32>
          %swap3A_634 = arith.constant 7 : i32
          %swap3A_635 = arith.constant 0 : i32
          %swap3A_636 = arith.constant 0 : i32
          %swap3A_637 = tpu.memref_slice %run_scoped3A_14[%rem3A_285, %swap3A_635, %swap3A_636] : memref<2x8x1024xf32, #tpu.memory_space<vmem>> -> memref<1x8x1024xf32, #tpu.memory_space<vmem>>
          %swap3A_638 = tpu.memref_squeeze %swap3A_637 : memref<1x8x1024xf32, #tpu.memory_space<vmem>> -> memref<8x1024xf32, #tpu.memory_space<vmem>>
          %swap3A_639 = arith.index_cast %swap3A_634 : i32 to index
          %swap3A_640 = arith.index_cast %add3A_423 : i32 to index
          %swap3A_641 = tpu.vector_load %swap3A_638[%swap3A_639, %swap3A_640] {strides = array<i32>} : memref<8x1024xf32, #tpu.memory_space<vmem>>, vector<16xf32>,
          tpu.vector_store %swap3A_638[%swap3A_639, %swap3A_640], %add3A_633 {strides = array<i32>} : memref<8x1024xf32, #tpu.memory_space<vmem>>, vector<16xf32>,
        }
        %scan3A_290 = arith.constant 64 : i32
        "tpu.trace_stop"() : () -> ()
        %add3A_291 = arith.constant 1280 : i32
        %add3A_292 = arith.addi %add3A_291, %add3A_170 : i32
        %add3A_293 = arith.constant 1280 : i32
        %add3A_294 = arith.addi %add3A_293, %add3A_188 : i32
        %ne3A_295 = arith.cmpi ne, %add3A_292, %add3A_294 : i32
        %or3A_296 = arith.constant false
        %or3A_297 = arith.ori %or3A_296, %ne3A_295 : i1
        %or3A_298 = arith.constant false
        %or3A_299 = arith.ori %or3A_297, %or3A_298 : i1
        %or3A_300 = arith.ori %or3A_299, %eq3A_169 : i1
        %convert_element_type3A_301 = arith.extui %or3A_300 : i1 to i32
        %cond3A_302 = arith.constant 0 : i32
        %cond3A_303 = arith.cmpi ne, %convert_element_type3A_301, %cond3A_302 : i32
        scf.if %cond3A_303 {
        } else {
        }
        %and3A_304 = arith.constant false
        %and3A_305 = arith.andi %or3A_300, %and3A_304 : i1
        %add3A_306 = arith.constant 1280 : i32
        %add3A_307 = arith.addi %add3A_306, %add3A_170 : i32
        %add3A_308 = arith.constant 1280 : i32
        %add3A_309 = arith.addi %add3A_308, %add3A_188 : i32
        %ne3A_310 = arith.cmpi ne, %add3A_307, %add3A_309 : i32
        %or3A_311 = arith.constant false
        %or3A_312 = arith.ori %or3A_311, %ne3A_310 : i1
        %or3A_313 = arith.constant false
        %or3A_314 = arith.ori %or3A_312, %or3A_313 : i1
        %or3A_315 = arith.ori %or3A_314, %eq3A_169 : i1
        %convert_element_type3A_316 = arith.extui %or3A_315 : i1 to i32
        %cond3A_317 = arith.constant 0 : i32
        %cond3A_318 = arith.cmpi ne, %convert_element_type3A_316, %cond3A_317 : i32
        scf.if %cond3A_318 {
        } else {
        }
        %and3A_319 = arith.constant false
        %and3A_320 = arith.andi %or3A_315, %and3A_319 : i1
        %ne3A_321 = arith.cmpi ne, %add3A_170, %add3A_188 : i32
        %or3A_322 = arith.constant false
        %or3A_323 = arith.ori %or3A_322, %ne3A_321 : i1
        %or3A_324 = arith.constant false
        %or3A_325 = arith.ori %or3A_323, %or3A_324 : i1
        %or3A_326 = arith.ori %or3A_325, %eq3A_169 : i1
        %convert_element_type3A_327 = arith.extui %or3A_326 : i1 to i32
        %cond3A_328 = arith.constant 0 : i32
        %cond3A_329 = arith.cmpi ne, %convert_element_type3A_327, %cond3A_328 : i32
        scf.if %cond3A_329 {
          "tpu.trace_start"() <{level = 10 : i32, message = "ep_copy_out"}> : () -> ()
          %rem3A_419 = arith.constant 2 : i32
          %rem3A_420 = arith.remui %scan3A_163, %rem3A_419 : i32
          %mul3A_421 = arith.constant 8 : i32
          %mul3A_422 = arith.muli %mul3A_421, %add3A_170 : i32
          %dma_start3A_423 = arith.constant 0 : i32
          %dma_start3A_424 = arith.constant 0 : i32
          %dma_start3A_425 = tpu.memref_slice %run_scoped3A_14[%rem3A_420, %dma_start3A_423, %dma_start3A_424] : memref<2x8x1024xf32, #tpu.memory_space<vmem>> -> memref<1x8x1024xf32, #tpu.memory_space<vmem>>
          %dma_start3A_426 = tpu.memref_squeeze %dma_start3A_425 : memref<1x8x1024xf32, #tpu.memory_space<vmem>> -> memref<8x1024xf32, #tpu.memory_space<vmem>>
          %dma_start3A_427 = arith.constant 0 : i32
          %dma_start3A_428 = tpu.memref_slice %arg7[%mul3A_422, %dma_start3A_427] : memref<2048x1024xf32, #tpu.memory_space<hbm>> -> memref<8x1024xf32, #tpu.memory_space<hbm>>
          %dma_start3A_429 = tpu.memref_slice %run_scoped3A_15[%rem3A_420] : memref<2x!tpu.dma_semaphore, #tpu.memory_space<semaphore_mem>> -> memref<1x!tpu.dma_semaphore, #tpu.memory_space<semaphore_mem>>
          %dma_start3A_430 = tpu.memref_squeeze %dma_start3A_429 : memref<1x!tpu.dma_semaphore, #tpu.memory_space<semaphore_mem>> -> memref<!tpu.dma_semaphore, #tpu.memory_space<semaphore_mem>>
          %dma_start3A_431 = arith.constant 0 : i32
          %dma_start3A_432 = tpu.memref_slice %arg7[%mul3A_422, %dma_start3A_431] : memref<2048x1024xf32, #tpu.memory_space<hbm>> -> memref<8x1024xf32, #tpu.memory_space<hbm>>
          %dma_start3A_433 = arith.constant 0 : i32
          %dma_start3A_434 = arith.constant 0 : i32
          %dma_start3A_435 = tpu.memref_slice %run_scoped3A_14[%rem3A_420, %dma_start3A_433, %dma_start3A_434] : memref<2x8x1024xf32, #tpu.memory_space<vmem>> -> memref<1x8x1024xf32, #tpu.memory_space<vmem>>
          %dma_start3A_436 = tpu.memref_squeeze %dma_start3A_435 : memref<1x8x1024xf32, #tpu.memory_space<vmem>> -> memref<8x1024xf32, #tpu.memory_space<vmem>>
          tpu.enqueue_dma source(%dma_start3A_436 : memref<8x1024xf32, #tpu.memory_space<vmem>>) target(%dma_start3A_432 : memref<8x1024xf32, #tpu.memory_space<hbm>>) target_semaphore(%dma_start3A_430 : memref<!tpu.dma_semaphore, #tpu.memory_space<semaphore_mem>>)
          "tpu.trace_stop"() : () -> ()
        } else {
        }
        %and3A_330 = arith.constant true
        %and3A_331 = arith.andi %or3A_326, %and3A_330 : i1
        %add3A_332 = arith.constant 1 : i32
        %add3A_333 = arith.addi %scan3A_163, %add3A_332 : i32
        %select_n3A_334 = arith.select %and3A_331, %add3A_333, %scan3A_163 : i32
        %add3A_335 = arith.constant 1280 : i32
        %add3A_336 = arith.addi %add3A_335, %add3A_170 : i32
        %add3A_337 = arith.constant 1280 : i32
        %add3A_338 = arith.addi %add3A_337, %add3A_179 : i32
        %ne3A_339 = arith.cmpi ne, %add3A_336, %add3A_338 : i32
        %or3A_340 = arith.constant false
        %or3A_341 = arith.ori %or3A_340, %ne3A_339 : i1
        %or3A_342 = arith.constant false
        %or3A_343 = arith.ori %or3A_341, %or3A_342 : i1
        %not3A_344 = arith.constant true
        %not3A_345 = arith.xori %eq3A_167, %not3A_344 : i1
        %and3A_346 = arith.andi %or3A_343, %not3A_345 : i1
        %convert_element_type3A_347 = arith.extui %and3A_346 : i1 to i32
        %cond3A_348 = arith.constant 0 : i32
        %cond3A_349 = arith.cmpi ne, %convert_element_type3A_347, %cond3A_348 : i32
        scf.if %cond3A_349 {
        } else {
        }
        %and3A_350 = arith.constant false
        %and3A_351 = arith.andi %and3A_346, %and3A_350 : i1
        %add3A_352 = arith.constant 1280 : i32
        %add3A_353 = arith.addi %add3A_352, %add3A_170 : i32
        %add3A_354 = arith.constant 1280 : i32
        %add3A_355 = arith.addi %add3A_354, %add3A_179 : i32
        %ne3A_356 = arith.cmpi ne, %add3A_353, %add3A_355 : i32
        %or3A_357 = arith.constant false
        %or3A_358 = arith.ori %or3A_357, %ne3A_356 : i1
        %or3A_359 = arith.constant false
        %or3A_360 = arith.ori %or3A_358, %or3A_359 : i1
        %not3A_361 = arith.constant true
        %not3A_362 = arith.xori %eq3A_167, %not3A_361 : i1
        %and3A_363 = arith.andi %or3A_360, %not3A_362 : i1
        %convert_element_type3A_364 = arith.extui %and3A_363 : i1 to i32
        %cond3A_365 = arith.constant 0 : i32
        %cond3A_366 = arith.cmpi ne, %convert_element_type3A_364, %cond3A_365 : i32
        scf.if %cond3A_366 {
        } else {
        }
        %and3A_367 = arith.constant false
        %and3A_368 = arith.andi %and3A_363, %and3A_367 : i1
        %ne3A_369 = arith.cmpi ne, %add3A_170, %add3A_179 : i32
        %or3A_370 = arith.constant false
        %or3A_371 = arith.ori %or3A_370, %ne3A_369 : i1
        %or3A_372 = arith.constant false
        %or3A_373 = arith.ori %or3A_371, %or3A_372 : i1
        %not3A_374 = arith.constant true
        %not3A_375 = arith.xori %eq3A_167, %not3A_374 : i1
        %and3A_376 = arith.andi %or3A_373, %not3A_375 : i1
        %convert_element_type3A_377 = arith.extui %and3A_376 : i1 to i32
        %cond3A_378 = arith.constant 0 : i32
        %cond3A_379 = arith.cmpi ne, %convert_element_type3A_377, %cond3A_378 : i32
        scf.if %cond3A_379 {
          "tpu.trace_start"() <{level = 10 : i32, message = "ep_wait_out"}> : () -> ()
          %rem3A_419 = arith.constant 2 : i32
          %rem3A_420 = arith.remui %scan3A_164, %rem3A_419 : i32
          %mul3A_421 = arith.constant 8 : i32
          %mul3A_422 = arith.muli %mul3A_421, %add3A_179 : i32
          %dma_wait3A_423 = arith.constant 0 : i32
          %dma_wait3A_424 = arith.constant 0 : i32
          %dma_wait3A_425 = tpu.memref_slice %run_scoped3A_14[%rem3A_420, %dma_wait3A_423, %dma_wait3A_424] : memref<2x8x1024xf32, #tpu.memory_space<vmem>> -> memref<1x8x1024xf32, #tpu.memory_space<vmem>>
          %dma_wait3A_426 = tpu.memref_squeeze %dma_wait3A_425 : memref<1x8x1024xf32, #tpu.memory_space<vmem>> -> memref<8x1024xf32, #tpu.memory_space<vmem>>
          %dma_wait3A_427 = arith.constant 0 : i32
          %dma_wait3A_428 = tpu.memref_slice %arg7[%mul3A_422, %dma_wait3A_427] : memref<2048x1024xf32, #tpu.memory_space<hbm>> -> memref<8x1024xf32, #tpu.memory_space<hbm>>
          %dma_wait3A_429 = tpu.memref_slice %run_scoped3A_15[%rem3A_420] : memref<2x!tpu.dma_semaphore, #tpu.memory_space<semaphore_mem>> -> memref<1x!tpu.dma_semaphore, #tpu.memory_space<semaphore_mem>>
          %dma_wait3A_430 = tpu.memref_squeeze %dma_wait3A_429 : memref<1x!tpu.dma_semaphore, #tpu.memory_space<semaphore_mem>> -> memref<!tpu.dma_semaphore, #tpu.memory_space<semaphore_mem>>
          %dma_wait3A_431 = arith.constant 0 : i32
          %dma_wait3A_432 = tpu.memref_slice %arg7[%mul3A_422, %dma_wait3A_431] : memref<2048x1024xf32, #tpu.memory_space<hbm>> -> memref<8x1024xf32, #tpu.memory_space<hbm>>
          %dma_wait3A_433 = arith.constant 0 : i32
          %dma_wait3A_434 = arith.constant 0 : i32
          %dma_wait3A_435 = tpu.memref_slice %run_scoped3A_14[%rem3A_420, %dma_wait3A_433, %dma_wait3A_434] : memref<2x8x1024xf32, #tpu.memory_space<vmem>> -> memref<1x8x1024xf32, #tpu.memory_space<vmem>>
          %dma_wait3A_436 = tpu.memref_squeeze %dma_wait3A_435 : memref<1x8x1024xf32, #tpu.memory_space<vmem>> -> memref<8x1024xf32, #tpu.memory_space<vmem>>
          tpu.wait_dma2 semaphore(%dma_wait3A_430 : memref<!tpu.dma_semaphore, #tpu.memory_space<semaphore_mem>>) src(%dma_wait3A_436 : memref<8x1024xf32, #tpu.memory_space<vmem>>) dst(%dma_wait3A_432 : memref<8x1024xf32, #tpu.memory_space<hbm>>)
          "tpu.trace_stop"() : () -> ()
        } else {
        }
        %and3A_380 = arith.constant true
        %and3A_381 = arith.andi %and3A_376, %and3A_380 : i1
        %add3A_382 = arith.constant 1 : i32
        %add3A_383 = arith.addi %scan3A_164, %add3A_382 : i32
        %select_n3A_384 = arith.select %and3A_381, %add3A_383, %scan3A_164 : i32
        %add3A_385 = arith.constant 1280 : i32
        %add3A_386 = arith.addi %add3A_385, %add3A_170 : i32
        %add3A_387 = arith.constant 1280 : i32
        %add3A_388 = arith.addi %add3A_387, %add3A_188 : i32
        %ne3A_389 = arith.cmpi ne, %add3A_386, %add3A_388 : i32
        %or3A_390 = arith.constant false
        %or3A_391 = arith.ori %or3A_390, %ne3A_389 : i1
        %or3A_392 = arith.constant false
        %or3A_393 = arith.ori %or3A_391, %or3A_392 : i1
        %or3A_394 = arith.ori %or3A_393, %eq3A_169 : i1
        %add3A_395 = arith.constant 1 : i32
        %add3A_396 = arith.addi %scan3A_160, %add3A_395 : i32
        %select_n3A_397 = arith.select %or3A_394, %add3A_396, %scan3A_160 : i32
        %add3A_398 = arith.constant 1280 : i32
        %add3A_399 = arith.addi %add3A_398, %add3A_170 : i32
        %add3A_400 = arith.constant 1280 : i32
        %add3A_401 = arith.addi %add3A_400, %add3A_188 : i32
        %ne3A_402 = arith.cmpi ne, %add3A_399, %add3A_401 : i32
        %or3A_403 = arith.constant false
        %or3A_404 = arith.ori %or3A_403, %ne3A_402 : i1
        %or3A_405 = arith.constant false
        %or3A_406 = arith.ori %or3A_404, %or3A_405 : i1
        %or3A_407 = arith.ori %or3A_406, %eq3A_169 : i1
        %add3A_408 = arith.constant 1 : i32
        %add3A_409 = arith.addi %scan3A_162, %add3A_408 : i32
        %select_n3A_410 = arith.select %or3A_407, %add3A_409, %scan3A_162 : i32
        %add3A_411 = arith.constant 1 : i32
        %add3A_412 = arith.addi %scan3A_165, %add3A_411 : i32
        %select_n3A_413 = arith.constant true
        %select_n3A_414 = arith.select %select_n3A_413, %add3A_412, %scan3A_165 : i32
        %eq3A_415 = arith.constant 8 : i32
        %eq3A_416 = arith.cmpi eq, %select_n3A_414, %eq3A_415 : i32
        %select_n3A_417 = arith.constant 0 : i32
        %select_n3A_418 = arith.select %eq3A_416, %select_n3A_417, %select_n3A_414 : i32
        scf.yield %select_n3A_212, %select_n3A_397, %select_n3A_234, %select_n3A_410, %select_n3A_334, %select_n3A_384, %select_n3A_418 : i32, i32, i32, i32, i32, i32, i32
      }
      %scan3A_105 = arith.constant 8 : i32
      %sub3A = arith.constant 1 : i32
      %sub3A_106 = arith.subi %scan3A_104#6, %sub3A : i32
      %select_n3A_107 = arith.constant true
      %select_n3A_108 = arith.select %select_n3A_107, %sub3A_106, %scan3A_104#6 : i32
      %eq3A_109 = arith.constant -1 : i32
      %eq3A_110 = arith.cmpi eq, %select_n3A_108, %eq3A_109 : i32
      %select_n3A_111 = arith.constant 7 : i32
      %select_n3A_112 = arith.select %eq3A_110, %select_n3A_111, %select_n3A_108 : i32
      %add3A_113 = arith.addi %select_n3A_112, %mul3A_10 : i32
      %sub3A_114 = arith.constant 1 : i32
      %sub3A_115 = arith.subi %select_n3A_112, %sub3A_114 : i32
      %select_n3A_116 = arith.constant true
      %select_n3A_117 = arith.select %select_n3A_116, %sub3A_115, %select_n3A_112 : i32
      %eq3A_118 = arith.constant -1 : i32
      %eq3A_119 = arith.cmpi eq, %select_n3A_117, %eq3A_118 : i32
      %select_n3A_120 = arith.constant 7 : i32
      %select_n3A_121 = arith.select %eq3A_119, %select_n3A_120, %select_n3A_117 : i32
      %add3A_122 = arith.addi %select_n3A_121, %mul3A_10 : i32
      %add3A_123 = arith.constant 1 : i32
      %add3A_124 = arith.addi %select_n3A_112, %add3A_123 : i32
      %select_n3A_125 = arith.constant true
      %select_n3A_126 = arith.select %select_n3A_125, %add3A_124, %select_n3A_112 : i32
      %eq3A_127 = arith.constant 8 : i32
      %eq3A_128 = arith.cmpi eq, %select_n3A_126, %eq3A_127 : i32
      %select_n3A_129 = arith.constant 0 : i32
      %select_n3A_130 = arith.select %eq3A_128, %select_n3A_129, %select_n3A_126 : i32
      %add3A_131 = arith.addi %select_n3A_130, %mul3A_10 : i32
      %add3A_132 = arith.constant 1 : i32
      %add3A_133 = arith.addi %select_n3A_130, %add3A_132 : i32
      %select_n3A_134 = arith.constant true
      %select_n3A_135 = arith.select %select_n3A_134, %add3A_133, %select_n3A_130 : i32
      %eq3A_136 = arith.constant 8 : i32
      %eq3A_137 = arith.cmpi eq, %select_n3A_135, %eq3A_136 : i32
      %select_n3A_138 = arith.constant 0 : i32
      %select_n3A_139 = arith.select %eq3A_137, %select_n3A_138, %select_n3A_135 : i32
      %add3A_140 = arith.addi %select_n3A_139, %mul3A_10 : i32
      "tpu.trace_start"() <{level = 10 : i32, message = "ep_finalize"}> : () -> ()
      %rem3A_141 = arith.constant 2 : i32
      %rem3A_142 = arith.remui %scan3A_104#5, %rem3A_141 : i32
      %mul3A_143 = arith.constant 8 : i32
      %mul3A_144 = arith.muli %mul3A_143, %add3A_113 : i32
      %dma_wait3A = arith.constant 0 : i32
      %dma_wait3A_145 = arith.constant 0 : i32
      %dma_wait3A_146 = tpu.memref_slice %run_scoped3A_14[%rem3A_142, %dma_wait3A, %dma_wait3A_145] : memref<2x8x1024xf32, #tpu.memory_space<vmem>> -> memref<1x8x1024xf32, #tpu.memory_space<vmem>>
      %dma_wait3A_147 = tpu.memref_squeeze %dma_wait3A_146 : memref<1x8x1024xf32, #tpu.memory_space<vmem>> -> memref<8x1024xf32, #tpu.memory_space<vmem>>
      %dma_wait3A_148 = arith.constant 0 : i32
      %dma_wait3A_149 = tpu.memref_slice %arg7[%mul3A_144, %dma_wait3A_148] : memref<2048x1024xf32, #tpu.memory_space<hbm>> -> memref<8x1024xf32, #tpu.memory_space<hbm>>
      %dma_wait3A_150 = tpu.memref_slice %run_scoped3A_15[%rem3A_142] : memref<2x!tpu.dma_semaphore, #tpu.memory_space<semaphore_mem>> -> memref<1x!tpu.dma_semaphore, #tpu.memory_space<semaphore_mem>>
      %dma_wait3A_151 = tpu.memref_squeeze %dma_wait3A_150 : memref<1x!tpu.dma_semaphore, #tpu.memory_space<semaphore_mem>> -> memref<!tpu.dma_semaphore, #tpu.memory_space<semaphore_mem>>
      %dma_wait3A_152 = arith.constant 0 : i32
      %dma_wait3A_153 = tpu.memref_slice %arg7[%mul3A_144, %dma_wait3A_152] : memref<2048x1024xf32, #tpu.memory_space<hbm>> -> memref<8x1024xf32, #tpu.memory_space<hbm>>
      %dma_wait3A_154 = arith.constant 0 : i32
      %dma_wait3A_155 = arith.constant 0 : i32
      %dma_wait3A_156 = tpu.memref_slice %run_scoped3A_14[%rem3A_142, %dma_wait3A_154, %dma_wait3A_155] : memref<2x8x1024xf32, #tpu.memory_space<vmem>> -> memref<1x8x1024xf32, #tpu.memory_space<vmem>>
      %dma_wait3A_157 = tpu.memref_squeeze %dma_wait3A_156 : memref<1x8x1024xf32, #tpu.memory_space<vmem>> -> memref<8x1024xf32, #tpu.memory_space<vmem>>
      tpu.wait_dma2 semaphore(%dma_wait3A_151 : memref<!tpu.dma_semaphore, #tpu.memory_space<semaphore_mem>>) src(%dma_wait3A_157 : memref<8x1024xf32, #tpu.memory_space<vmem>>) dst(%dma_wait3A_153 : memref<8x1024xf32, #tpu.memory_space<hbm>>)
      "tpu.trace_stop"() : () -> ()
      tpu.yield
    }) : () -> ()
    return
  }
}

module attributes {stable_mosaic.version = 14 : i64} {
  func.func @_qsample_body(%arg0: i32, %arg1: memref<1x1024xi32, #tpu.memory_space<vmem>>, %arg2: memref<1024x1xf32, #tpu.memory_space<vmem>>, %arg3: memref<1024x1xf32, #tpu.memory_space<vmem>>, %arg4: memref<1024x1024xf32, #tpu.memory_space<vmem>>, %arg5: memref<1024x1024xf32, #tpu.memory_space<vmem>>, %arg6: memref<1024x1024xf32, #tpu.memory_space<vmem>>, %arg7: memref<2x1024xf32, #tpu.memory_space<vmem>>) attributes {dimension_semantics = [#tpu.dimension_semantics<arbitrary>], iteration_bounds = array<i64: 10>, scalar_prefetch = 0 : i64, scratch_operands = 1 : i64, tpu.core_type = #tpu.core_type<tc>, window_params = [{pipeline_mode = #tpu.pipeline_mode<synchronous>, transform_indices = @transform_0, window_bounds = array<i64: 1, 1024>}, {pipeline_mode = #tpu.pipeline_mode<synchronous>, transform_indices = @transform_1, window_bounds = array<i64: 1024, 1>}, {pipeline_mode = #tpu.pipeline_mode<synchronous>, transform_indices = @transform_2, window_bounds = array<i64: 1024, 1>}, {transform_indices = @transform_3, window_bounds = array<i64: 1024, 1024>}, {transform_indices = @transform_4, window_bounds = array<i64: 1024, 1024>}, {transform_indices = @transform_5, window_bounds = array<i64: 1024, 1024>}]} {
    %eq3A = arith.constant 0 : i32
    %eq3A_0 = arith.cmpi eq, %arg0, %eq3A : i32
    %convert_element_type3A = arith.extui %eq3A_0 : i1 to i32
    %cond3A = arith.constant 0 : i32
    %cond3A_1 = arith.cmpi ne, %convert_element_type3A, %cond3A : i32
    scf.if %cond3A_1 {
      %get3A_18 = arith.constant 0 : index
      %get3A_19 = arith.constant 0 : index
      %get3A_20 = vector.load %arg1[%get3A_18, %get3A_19] : memref<1x1024xi32, #tpu.memory_space<vmem>>, vector<1x1024xi32>
      %iota3A = tpu.iota {dimensions = array<i32: 0>} : vector<1024x1024xi32>
      %eq3A_21 = vector.broadcast %get3A_20 : vector<1x1024xi32> to vector<1024x1024xi32>
      %eq3A_22 = arith.cmpi eq, %iota3A, %eq3A_21 : vector<1024x1024xi32>
      %get3A_23 = arith.constant 0 : index
      %get3A_24 = arith.constant 0 : index
      %get3A_25 = vector.load %arg2[%get3A_23, %get3A_24] : memref<1024x1xf32, #tpu.memory_space<vmem>>, vector<1024x1xf32>
      %jit3A = arith.constant 0.000000e+00 : f32
      %broadcast_in_dim3A = vector.shape_cast %get3A_25 : vector<1024x1xf32> to vector<1024x1xf32>
      %broadcast_in_dim3A_26 = vector.broadcast %broadcast_in_dim3A : vector<1024x1xf32> to vector<1024x1024xf32>
      %broadcast_in_dim3A_27 = vector.broadcast %jit3A : f32 to vector<1024x1024xf32>
      %select_n3A = arith.select %eq3A_22, %broadcast_in_dim3A_26, %broadcast_in_dim3A_27 : vector<1024x1024xi1>, vector<1024x1024xf32>
      %reduce_sum3A = arith.constant dense<0.000000e+00> : vector<1024xf32>
      %reduce_sum3A_28 = vector.multi_reduction <add>, %select_n3A, %reduce_sum3A [0] : vector<1024x1024xf32> to vector<1024xf32>
      %broadcast_in_dim3A_29 = vector.shape_cast %reduce_sum3A_28 : vector<1024xf32> to vector<1x1024xf32>
      %swap3A_30 = arith.constant 0 : index
      %swap3A_31 = arith.constant 0 : index
      %swap3A_32 = vector.load %arg7[%swap3A_30, %swap3A_31] : memref<2x1024xf32, #tpu.memory_space<vmem>>, vector<1x1024xf32>
      tpu.vector_store %arg7[%swap3A_30, %swap3A_31], %broadcast_in_dim3A_29 {strides = array<i32>} : memref<2x1024xf32, #tpu.memory_space<vmem>>, vector<1x1024xf32>,
      %get3A_33 = arith.constant 0 : index
      %get3A_34 = arith.constant 0 : index
      %get3A_35 = vector.load %arg3[%get3A_33, %get3A_34] : memref<1024x1xf32, #tpu.memory_space<vmem>>, vector<1024x1xf32>
      %jit3A_36 = arith.constant 0.000000e+00 : f32
      %broadcast_in_dim3A_37 = vector.shape_cast %get3A_35 : vector<1024x1xf32> to vector<1024x1xf32>
      %broadcast_in_dim3A_38 = vector.broadcast %broadcast_in_dim3A_37 : vector<1024x1xf32> to vector<1024x1024xf32>
      %broadcast_in_dim3A_39 = vector.broadcast %jit3A_36 : f32 to vector<1024x1024xf32>
      %select_n3A_40 = arith.select %eq3A_22, %broadcast_in_dim3A_38, %broadcast_in_dim3A_39 : vector<1024x1024xi1>, vector<1024x1024xf32>
      %reduce_sum3A_41 = arith.constant dense<0.000000e+00> : vector<1024xf32>
      %reduce_sum3A_42 = vector.multi_reduction <add>, %select_n3A_40, %reduce_sum3A_41 [0] : vector<1024x1024xf32> to vector<1024xf32>
      %broadcast_in_dim3A_43 = vector.shape_cast %reduce_sum3A_42 : vector<1024xf32> to vector<1x1024xf32>
      %swap3A_44 = arith.constant 1 : index
      %swap3A_45 = arith.constant 0 : index
      %swap3A_46 = vector.load %arg7[%swap3A_44, %swap3A_45] : memref<2x1024xf32, #tpu.memory_space<vmem>>, vector<1x1024xf32>
      tpu.vector_store %arg7[%swap3A_44, %swap3A_45], %broadcast_in_dim3A_43 {strides = array<i32>} : memref<2x1024xf32, #tpu.memory_space<vmem>>, vector<1x1024xf32>,
    } else {
    }
    %get3A = arith.constant 0 : index
    %get3A_2 = arith.constant 0 : index
    %get3A_3 = vector.load %arg7[%get3A, %get3A_2] : memref<2x1024xf32, #tpu.memory_space<vmem>>, vector<1x1024xf32>
    %get3A_4 = arith.constant 1 : index
    %get3A_5 = arith.constant 0 : index
    %get3A_6 = vector.load %arg7[%get3A_4, %get3A_5] : memref<2x1024xf32, #tpu.memory_space<vmem>>, vector<1x1024xf32>
    %get3A_7 = arith.constant 0 : index
    %get3A_8 = arith.constant 0 : index
    %get3A_9 = vector.load %arg4[%get3A_7, %get3A_8] : memref<1024x1024xf32, #tpu.memory_space<vmem>>, vector<1024x1024xf32>
    %mul3A = vector.broadcast %get3A_3 : vector<1x1024xf32> to vector<1024x1024xf32>
    %mul3A_10 = arith.mulf %mul3A, %get3A_9 : vector<1024x1024xf32>
    %get3A_11 = arith.constant 0 : index
    %get3A_12 = arith.constant 0 : index
    %get3A_13 = vector.load %arg5[%get3A_11, %get3A_12] : memref<1024x1024xf32, #tpu.memory_space<vmem>>, vector<1024x1024xf32>
    %mul3A_14 = vector.broadcast %get3A_6 : vector<1x1024xf32> to vector<1024x1024xf32>
    %mul3A_15 = arith.mulf %mul3A_14, %get3A_13 : vector<1024x1024xf32>
    %add3A = arith.addf %mul3A_10, %mul3A_15 : vector<1024x1024xf32>
    %swap3A = arith.constant 0 : index
    %swap3A_16 = arith.constant 0 : index
    %swap3A_17 = vector.load %arg6[%swap3A, %swap3A_16] : memref<1024x1024xf32, #tpu.memory_space<vmem>>, vector<1024x1024xf32>
    tpu.vector_store %arg6[%swap3A, %swap3A_16], %add3A {strides = array<i32>} : memref<1024x1024xf32, #tpu.memory_space<vmem>>, vector<1024x1024xf32>,
    return
  }
  func.func @transform_0(%arg0: i32) -> (i32, i32) {
    %c0_i32 = arith.constant 0 : i32
    %c0_i32_0 = arith.constant 0 : i32
    %c0_i32_1 = arith.constant 0 : i32
    return %c0_i32, %c0_i32_0 : i32, i32
  }
  func.func @transform_1(%arg0: i32) -> (i32, i32) {
    %c0_i32 = arith.constant 0 : i32
    %c0_i32_0 = arith.constant 0 : i32
    %c0_i32_1 = arith.constant 0 : i32
    return %c0_i32, %c0_i32_0 : i32, i32
  }
  func.func @transform_2(%arg0: i32) -> (i32, i32) {
    %c0_i32 = arith.constant 0 : i32
    %c0_i32_0 = arith.constant 0 : i32
    %c0_i32_1 = arith.constant 0 : i32
    return %c0_i32, %c0_i32_0 : i32, i32
  }
  func.func @transform_3(%arg0: i32) -> (i32, i32) {
    %c0_i32 = arith.constant 0 : i32
    %c0_i32_0 = arith.constant 0 : i32
    return %arg0, %c0_i32 : i32, i32
  }
  func.func @transform_4(%arg0: i32) -> (i32, i32) {
    %c0_i32 = arith.constant 0 : i32
    %c0_i32_0 = arith.constant 0 : i32
    return %arg0, %c0_i32 : i32, i32
  }
  func.func @transform_5(%arg0: i32) -> (i32, i32) {
    %c0_i32 = arith.constant 0 : i32
    %c0_i32_0 = arith.constant 0 : i32
    return %arg0, %c0_i32 : i32, i32
  }
}

</mosaic_0001>

<sc_bundles>
// kernel: kernel.4.cloned.1.call-start
scs
__scs_entry_jumppad:
0x0: {  	(pc) =	sbr.rel $0x88, $3  }
0x1: {  	(tag) =	ssettag $0x0;
	lr =	simm.s32 $0x1  }
0x2: {  	[smem:$0x3F9C] =	sst lr;
	_ =	strace $0xD0000000  }
0x3: {  	_ = 	snop  }
0x4: {  	_ = 	snop  }
0x5: {  	_ = 	snop  }
0x6: {  	_ = 	snop  }
0x7: {  	_ = 	snop  }
__scs_overlays_trampoline_lowered:
0x8: {  	[smem:$0x3FAB] =	sst s0  }
0x9: {  	[smem:$0x3FAC] =	sst s1  }
0xa: {  	[smem:$0x3FAD] =	sst s2  }
0xb: {  	[smem:$0x3FAE] =	sst s3  }
0xc: {  	[smem:$0x3FAF] =	sst s4  }
0xd: {  	[smem:$0x3FB0] =	sst s5  }
0xe: {  	[smem:$0x3FB1] =	sst s6  }
0xf: {  	[smem:$0x3FB2] =	sst s7  }
0x10: {  	[smem:$0x3FB3] =	sst s8  }
0x11: {  	[smem:$0x3FB4] =	sst s9;
	s0 =	simm.s32 @!p0 $0x0  }
0x12: {  	s1 =	sld [smem:$0x3F9A];
	s0 =	simm.s32 @p0 $0x1  }
0x13: {  	[smem:$0x3FB5] =	sst s0;
	s0 =	simm.s32 @!p1 $0x0  }
0x14: {  	s2 =	sld [smem:$0x3F99];
	s0 =	simm.s32 @p1 $0x1  }
0x15: {  	[smem:$0x3FB6] =	sst s0;
	s0 =	simm.s32 @!p2 $0x0  }
0x16: {  	s3 =	sld [smem:$0x3FDB];
	s0 =	simm.s32 @p2 $0x1  }
0x17: {  	s4 =	simm.s32 $0x1BF5;
	[smem:$0x3FB8] =	sst s0  }
0x18: {  	s0 =	sld [smem:$0x3F9B];
	_ =	swait.ge [sflag:s4], $0x0  }
0x19: {  	s7 =	sld [smem:$0x3F9C]  }
0x1a: {  	s8 =	sadd.s32 $0xFFFFE003, lr  }
0x1b: {  	s9 =	sadd.s32 $0xFFFFFEF7, lr;
	s5 =	simm.s32 $0xFFFFFFFF;
	p2 =	slt.u32 s8, $0xFFFFF086  }
0x1c: {  	p1 =	slt.u32 s9, $0xF7A;
	s5 =	simm.s32 @!p2 $0x0  }
0x1d: {  	s5 =	simm.s32 @p1 $0x1;
	p0 =	seq.s32 s7, s2  }
0x1e: {  	s7 =	smul.u32 @!p0 $0xF7A, s2;
	p2 =	seq.s32 @!p0 s5, $0x0  }
0x1f: {  	s9 =	smul.u32 $0xF7A, s1;
	s8 =	simm.s32 @!p0 $0x1BF5;
	p2 =	por !p2, p0  }
0x20: {  	[sflag:s8] =	ssyncset.s32 @!p0 $0xFFFFF086;
	s6 =	sadd.s32 @!p0 s3, s7;
	s7 =	simm.s32 @!p0 $0x108  }
0x21: {  	s3 =	sadd.s32 s3, s9;
	s6 =	sadd.s32 @!p0 $0x88, s6;
	s7 =	simm.s32 @p2 $0x1082  }
0x22: {  	[simem:s7], [sflag:s8] =	dma.local @!p0 [hbm:s6], $0xF7A  }
0x23: {  	s9 =	sor.u32 $0xD0000000, s2;
	s6 =	simm.s32 $0x108;
	_ =	swait.ge @!p0 [sflag:s8], $0x0  }
0x24: {  	s3 =	sadd.s32 $0x88, s3;
	s6 =	simm.s32 @!p1 $0x1082;
	[sflag:s4] =	ssyncset.s32 $0xFFFFF086  }
0x25: {  	[simem:s6], [sflag:s4] =	dma.local [hbm:s3], $0xF7A  }
0x26: {  	[smem:$0x3F9C] =	sst s1;
	(tag) =	ssettag s2;
	_ =	strace s9  }
0x27: {  	s1 =	sld [smem:$0x3FAC]  }
0x28: {  	s2 =	sld [smem:$0x3FAD]  }
0x29: {  	s4 =	sld [smem:$0x3FAF]  }
0x2a: {  	p0 =	seq.s32 s5, $0x0;
	s5 =	sld [smem:$0x3FB0]  }
0x2b: {  	s6 =	sld [smem:$0x3FB1]  }
0x2c: {  	s7 =	sld [smem:$0x3FB2]  }
0x2d: {  	s3 =	simm.s32 $0x108;
	s8 =	sld [smem:$0x3FB3]  }
0x2e: {  	s3 =	simm.s32 @!p0 $0x1082;
	s9 =	sld [smem:$0x3FB4]  }
0x2f: {  	lr =	sadd.s32 s0, s3;
	s0 =	sld [smem:$0x3FAB]  }
0x30: {  	s3 =	sld [smem:$0x3FAE]  }
0x31: {  	[smem:$0x3FB7] =	sst s10  }
0x32: {  	s10 =	sld [smem:$0x3FB5];
	_ =	sdelay $0x3  }
0x33: {  	p0 =	seq.s32 s10, $0x1;
	s10 =	sld [smem:$0x3FB7];
	_ =	sdelay $0x3  }
0x34: {  	[smem:$0x3FB7] =	sst s10  }
0x35: {  	s10 =	sld [smem:$0x3FB6];
	_ =	sdelay $0x3  }
0x36: {  	p1 =	seq.s32 s10, $0x1;
	s10 =	sld [smem:$0x3FB7];
	_ =	sdelay $0x3  }
0x37: {  	[smem:$0x3FB7] =	sst s10  }
0x38: {  	s10 =	sld [smem:$0x3FB8]  }
0x39: {  	_ = 	snop;
	(pc) =	sbr.ind lr, $3  }
0x3a: {  	_ = 	snop  }
0x3b: {  	_ = 	snop  }
0x3c: {  	p2 =	seq.s32 s10, $0x1;
	s10 =	sld [smem:$0x3FB7]  }
0x3d: {  	_ =	shalt  }
0x3e: {  	_ =	shalt  }
0x3f: {  	_ =	shalt  }
0x40: {  	_ =	shalt  }
0x41: {  	_ =	shalt  }
0x42: {  	_ =	shalt  }
0x43: {  	_ =	shalt  }
0x44: {  	_ =	shalt  }
0x45: {  	_ =	shalt  }
0x46: {  	_ =	shalt  }
0x47: {  	_ =	shalt  }
0x48: {  	_ =	shalt  }
0x49: {  	_ =	shalt  }
0x4a: {  	_ =	shalt  }
0x4b: {  	_ =	shalt  }
0x4c: {  	_ =	shalt  }
0x4d: {  	_ =	shalt  }
0x4e: {  	_ =	shalt  }
0x4f: {  	_ =	shalt  }
0x50: {  	_ =	shalt  }
0x51: {  	_ =	shalt  }
0x52: {  	_ =	shalt  }
0x53: {  	_ =	shalt  }
0x54: {  	_ =	shalt  }
0x55: {  	_ =	shalt  }
0x56: {  	_ =	shalt  }
0x57: {  	_ =	shalt  }
0x58: {  	_ =	shalt  }
0x59: {  	_ =	shalt  }
0x5a: {  	_ =	shalt  }
0x5b: {  	_ =	shalt  }
0x5c: {  	_ =	shalt  }
0x5d: {  	_ =	shalt  }
0x5e: {  	_ =	shalt  }
0x5f: {  	_ =	shalt  }
0x60: {  	_ =	shalt  }
0x61: {  	_ =	shalt  }
0x62: {  	_ =	shalt  }
0x63: {  	_ =	shalt  }
0x64: {  	_ =	shalt  }
0x65: {  	_ =	shalt  }
0x66: {  	_ =	shalt  }
0x67: {  	_ =	shalt  }
0x68: {  	_ =	shalt  }
0x69: {  	_ =	shalt  }
0x6a: {  	_ =	shalt  }
0x6b: {  	_ =	shalt  }
0x6c: {  	_ =	shalt  }
0x6d: {  	_ =	shalt  }
0x6e: {  	_ =	shalt  }
0x6f: {  	_ =	shalt  }
0x70: {  	_ =	shalt  }
0x71: {  	_ =	shalt  }
0x72: {  	_ =	shalt  }
0x73: {  	_ =	shalt  }
0x74: {  	_ =	shalt  }
0x75: {  	_ =	shalt  }
0x76: {  	_ =	shalt  }
0x77: {  	_ =	shalt  }
0x78: {  	_ =	shalt  }
0x79: {  	_ =	shalt  }
0x7a: {  	_ =	shalt  }
0x7b: {  	_ =	shalt  }
0x7c: {  	_ =	shalt  }
0x7d: {  	_ =	shalt  }
0x7e: {  	_ =	shalt  }
0x7f: {  	_ =	shalt  }
0x80: {  	_ =	shalt  }
0x81: {  	_ =	shalt  }
0x82: {  	_ =	shalt  }
0x83: {  	_ =	shalt  }
0x84: {  	_ =	shalt  }
0x85: {  	_ =	shalt  }
0x86: {  	_ =	shalt  }
0x87: {  	_ =	shalt  }
.Lfunc_end0:
.L_simem_size_0:
called_computation_lowered:
.L_overlay_start_0:
0x88: {  	s2 =	sld [smem:$0x3FD9]  }
0x89: {  	s3 =	sld [smem:$0x3FFE];
	_ =	sdelay $0x1  }
0x8a: {  	s1 =	srdreg.scid  }
0x8b: {  	s0 =	sand.u32 $0x1, s1  }
0x8c: {  	s17 =	sshll.u32 s0, $0xA;
	s2 =	sadd.s32 s3, s2  }
0x8d: {  	s2 =	sadd.s32 s2, s17  }
0x8e: {  	[smem:$0x3FC3] =	sst s2  }
0x8f: {  	_ = 	snop  }
0x90: {  	s2 =	sld [smem:$0x3FC9]  }
0x91: {  	s18 =	sld [smem:$0x3FC8]  }
0x92: {  	s4 =	sld [smem:$0x3FC7];
	(tm) =	ssettm $0x1  }
0x93: {  	s5 =	sld [smem:$0x3FFB];
	_ =	sdelay $0x3  }
0x94: {  	_ =	strace s5  }
0x95: {  	s5 =	sld [smem:$0x3FFC];
	_ =	sdelay $0x3  }
0x96: {  	_ =	strace s5  }
0x97: {  	s5 =	sld [smem:$0x3FFD];
	_ =	sdelay $0x3  }
0x98: {  	_ =	strace s5  }
0x99: {  	_ =	strace $0x8FFFFFFF  }
0x9a: {  	s19 =	sld [smem:$0x3FDB];
	_ =	sdelay $0x1  }
0x9b: {  	s6 =	simm.s32 $_scs_section_size  }
0x9c: {  	s7 =	simm.s32 $_size__tile_overlayer_lowered;
	s8 =	simm.s32 $_tile_overlayer_lowered  }
0x9d: {  	s22 =	simm.s32 $0x1BFF;
	s21 =	sshll.u32 s8, $0x1;
	s5 =	sadd.s32 s6, s19  }
0x9e: {  	s9 =	simm.s32 $0x0;
	s20 =	sshll.u32 s7, $0x1;
	s7 =	sadd.s32 s21, s5  }
0x9f: {  	[timem:s9], [sflag:s22] =	dma.local [hbm:s7], s20  }
0xa0: {  	_ =	swait.ge [sflag:s22], s20  }
0xa1: {  	s6 =	ssub.s32 $0x0, s20;
	[sflag:s22] =	ssyncset.done $0x0  }
0xa2: {  	[sflag:s22] =	ssyncadd.s32 s6;
	_ =	sdelay $0x1  }
0xa3: {  	s23 =	simm.s32 $0x1B8B  }
0xa4: {  	_ =	swait.ge [sflag:s23], $0x1  }
0xa5: {  	[sflag:s23] =	ssyncset.done $0x0  }
0xa6: {  	s25 =	simm.s32 $0x1B8E;
	s24 =	sld [smem:$0x3FFE];
	[sflag:s23] =	ssyncadd.s32 $0xFFFFFFFF  }
0xa7: {  	s26 =	simm.s32 $execute0_lowered;
	[smem:$0x3FD2] =	sst s25  }
0xa8: {  	s7 =	sshll.u32 s26, $0x1;
	_ =	strace $0x80000046;
	[dreg:$0x1] =	wrdreg $0xFFFFFFFF  }
0xa9: {  	s28 =	simm.s32 $_size_execute0_lowered;
	s5 =	sadd.s32 s5, s7;
	[dreg:$0x0] =	wrdreg $0x0  }
0xaa: {  	s7 =	sshll.u32 s28, $0x1;
	[dreg:$0x2] =	wrdreg s5  }
0xab: {  	[dreg:$0x3] =	wrdreg s7  }
0xac: {  	[dreg:$0x4] =	wrdreg $0xC0  }
0xad: {  	_ =	task [dreg:s9], $0x5FFFF  }
0xae: {  	[dreg:$0x1] =	wrdreg $0xFFFFFFFF  }
0xaf: {  	[dreg:$0x0] =	wrdreg $0x60  }
0xb0: {  	[dreg:$0x2] =	wrdreg s18  }
0xb1: {  	[dreg:$0x3] =	wrdreg s24  }
0xb2: {  	[dreg:$0x4] =	wrdreg s2  }
0xb3: {  	[dreg:$0x5] =	wrdreg s4  }
0xb4: {  	[dreg:$0x6] =	wrdreg $0x9  }
0xb5: {  	_ =	task.clear_ibuf [dreg:s9], $0x7FFFF;
	_ =	strace $0x90000046  }
0xb6: {  	s29 =	simm.s32 $0x9;
	_ =	strace $0x80000051  }
0xb7: {  	_ =	swait.ge [sflag:s29], $0x1  }
0xb8: {  	[sflag:s29] =	ssyncadd.s32 $0xFFFFFFFF  }
0xb9: {  	_ =	strace $0x90000051  }
0xba: {  	_ =	sfence  }
0xbb: {  	s30 =	sld [smem:$0x0];
	_ =	sdelay $0x2  }
0xbc: {  	s31 =	sshll.u32 s1, $0xD;
	s1 =	sshrl.u32 s1, $0x2  }
0xbd: {  	s3 =	sand.u32 $0x4000, s31;
	s1 =	sadd.s32 s1, s30  }
0xbe: {  	s0 =	sor.u32 s3, s0;
	s1 =	sshll.u32 s1, $0x11  }
0xbf: {  	s0 =	sor.u32 s1, s0  }
0xc0: {  	s0 =	sadd.s32 $0x8F2B, s0  }
0xc1: {  	[sflag:s0] =	ssyncadd.remote.s32 $0x1  }
0xc2: {  	_ =	sfence.sel $0xFFFF  }
0xc3: {  	[dreg:$0x0] =	wrdreg $0xFFFFFFFF;
	(pc) =	sbr.abs _section_cstart, $3  }
0xc4: {  	[dreg:$0x1] =	wrdreg $0xFFFFFFFF  }
0xc5: {  	_ =	task.clear_ibuf [dreg:s9], $0x2FFFF;
	_ =	strace $0x9FFFFFFF  }
0xc6: {  	(tm) =	ssettm $0x7FFFFFFF  }
0xc7: {  	_ =	shalt  }
tec
execute0_lowered:
.L_overlay_start_1:
0x0: {  	(tag) =	ssettag $0x1  }
0x1: {  	s0 =	rddreg [dreg:$0x1]  }
0x2: {  	s2 =	rddreg [dreg:$0x2]  }
0x3: {  	s4 =	rddreg [dreg:$0x3];
	s1 =	srdreg.scid  }
0x4: {  	s3 =	simm.s32 $0x0;
	s5 =	stileid.u32;
	s14 =	simm.s32 $0x1  }
0x5: {  	s15 =	simm.s32 $0x400;
	s1 =	sand.u32 $0x1, s1;
	[smem:$0x7FF] =	sst s3  }
0x6: {  	s6 =	sshll.u32 s5, $0x3;
	s25 =	sadd.s32 $0xA00, s0;
	s26 =	sadd.s32 $0xC00, s0  }
0x7: {  	s9 =	sadd.s32 $0xE00, s0;
	s24 =	sshll.u32 s1, $0x7;
	s1 =	ssub.s32 $0x2, s1  }
0x8: {  	_ =	strace $0x80000047;
	s7 =	sor.u32 s6, s24;
	s29 =	sshrl.u32 s1, $0x1  }
0x9: {  	[dreg:$0x5] =	wrdreg s25;
	s28 =	sshll.u32 s7, $0xA;
	s0 =	ssub.s32 s1, s29  }
0xa: {  	[dreg:$0x6] =	wrdreg s26;
	s3 =	sor.u32 $0x140000, s28;
	s0 =	smax.u32 s0, $0x1  }
0xb: {  	s16 =	simm.s32 $0x800;
	s30 =	sadd.s32 s2, s3;
	[dreg:$0x9] =	wrdreg s0  }
0xc: {  	s20 =	simm.s32 $0x0;
	s31 =	sadd.s32 s4, s3;
	[dreg:$0x7] =	wrdreg s30  }
0xd: {  	s21 =	simm.s32 $0x0;
	s12 =	sor.u32 $0x500, s7;
	[dreg:$0x8] =	wrdreg s31  }
.LBB2_1:
0xe: {  	s0 =	rddreg [dreg:$0x0];
	s1 =	simm.s32 $0x0  }
0xf: {  	[tilespmem:s1], [sflag:$0x1] =	stream.linear.gather [hbm4b:s0+s1], $0x400, $0x38;
	[tilespmem:$0xD400] =	vst v63  }
0x10: {  	_ =	swait.ge [sflag:s14], $0x400  }
0x11: {  	[sflag:s14] =	ssyncset.done $0x0  }
0x12: {  	s30 =	rddreg [dreg:$0x5];
	[sflag:s14] =	ssyncadd.s32 $0xFFFFFC00  }
0x13: {  	[tilespmem:s15], [sflag:$0x1] =	stream.linear.gather [hbm4b:s30+s1], $0x400, $0x38;
	[tilespmem:$0xD400] =	vst v63  }
0x14: {  	_ =	swait.ge [sflag:s14], $0x400  }
0x15: {  	[sflag:s14] =	ssyncset.done $0x0  }
0x16: {  	s31 =	rddreg [dreg:$0x6];
	[sflag:s14] =	ssyncadd.s32 $0xFFFFFC00  }
0x17: {  	[tilespmem:s16], [sflag:$0x1] =	stream.linear.gather [hbm4b:s31+s1], $0x400, $0x38;
	[tilespmem:$0xD400] =	vst v63  }
0x18: {  	_ =	swait.ge [sflag:s14], $0x400  }
0x19: {  	[sflag:s14] =	ssyncset.done $0x0  }
0x1a: {  	s0 =	simm.s32 $0x0;
	[sflag:s14] =	ssyncadd.s32 $0xFFFFFC00  }
0x1b: {  	v0 =	vld [tilespmem:s0+$0x0];
	_ =	sdelay $0x7  }
0x1c: {  	v1 =	vld.idx.msk [tilespmem:v0+s15+$0x0], $0xffff;
	_ =	sdelay $0x3  }
0x1d: {  	s3 =	simm.s32 $0x80;
	s1 =	simm.s32 $0x10  }
.LBB2_2:
0x1e: {  	p0 =	sne.s32 s3, $0xFC0;
	v2 =	vld [tilespmem:s1+$0x0];
	[tilespmem:s0+$0xC00] =	vst v1  }
0x1f: {  	v1 =	vld.idx.msk [tilespmem:v0+s16+$0x0], $0xffff;
	_ =	sdelay $0x3  }
0x20: {  	v0 =	vmov v2;
	_ =	sdelay $0x1  }
0x21: {  	[tilespmem:s0+$0x1000] =	vst v1;
	s0 =	smov.u32 s1  }
0x22: {  	v1 =	vld.idx.msk [tilespmem:v2+s15+$0x0], $0xffff  }
.Ltmp0:
0x23: {  	(pc) =	sbr.rel @p0 .LBB2_2-.Ltmp0, $2  }
0x24: {  	_ =	sdelay $0x2  }
0x25: {  	s1 =	sshra.s32 s3, $0x2;
	s3 =	sadd.s32 $0x40, s3  }
0x26: {  	_ =	sdelay $0x1  }
0x27: {  	v2 =	vld [tilespmem:s1+$0x0]  }
0x28: {  	[tilespmem:s0+$0xC00] =	vst v1  }
0x29: {  	v0 =	vld.idx.msk [tilespmem:v0+s16+$0x0], $0xffff;
	_ =	sdelay $0x4  }
0x2a: {  	[tilespmem:s0+$0x1000] =	vst v0  }
0x2b: {  	v0 =	vld.idx.msk [tilespmem:v2+s15+$0x0], $0xffff;
	_ =	sdelay $0x4  }
0x2c: {  	[tilespmem:s1+$0xC00] =	vst v0  }
0x2d: {  	v0 =	vld.idx.msk [tilespmem:v2+s16+$0x0], $0xffff;
	_ =	sdelay $0x4  }
0x2e: {  	s25 =	simm.s32 $0x1400;
	s30 =	simm.s32 $0x5400;
	[tilespmem:s1+$0x1000] =	vst v0  }
0x2f: {  	s22 =	simm.s32 $0x1;
	s31 =	simm.s32 $0x0;
	_ =	strace $0x80000048  }
0x30: {  	s23 =	simm.s32 $0x0;
	s28 =	simm.s32 $0x0;
	s24 =	rddreg [dreg:$0x7]  }
0x31: {  	[tilespmem:s25], [sflag:$0x1] =	stream.linear.gather [hbm4b:s24+s21], $0x2000, $0x200038;
	[tilespmem:$0xD400] =	vst v63  }
0x32: {  	s29 =	simm.s32 $0x0;
	s26 =	rddreg [dreg:$0x8];
	s24 =	simm.s32 $0x0  }
0x33: {  	[tilespmem:s30], [sflag:$0x3] =	stream.linear.gather [hbm4b:s26+s21], $0x2000, $0x200038;
	[tilespmem:$0xD400] =	vst v63  }
0x34: {  	s25 =	simm.s32 $0x0;
	s26 =	simm.s32 $0x1;
	_ =	strace $0x90000048  }
.LBB2_4:
0x35: {  	s30 =	sadd.s32 $0x1, s31  }
0x36: {  	p0 =	seq.s32 s30, $0x8  }
0x37: {  	s30 =	simm.s32 @p0 $0x0;
	p0 =	seq.s32 s29, $0x7  }
0x38: {  	p1 =	seq.s32 @!p0 s31, s30  }
0x39: {  	p2 =	por p1, p0  }
0x3a: {  	s0 =	sadd.s32 @!p2 s30, s12  }
0x3b: {  	s1 =	sand.u32 @!p2 $0x1, s22;
	_ =	strace @!p2 $0x80000049;
	s0 =	sshll.u32 @!p2 s0, $0xA  }
0x3c: {  	s10 =	simm.s32 @!p2 $0x0;
	s3 =	sshll.u32 @!p2 s1, $0xD;
	s0 =	sand.u32 @!p2 $0x1FFFFC00, s0  }
0x3d: {  	s1 =	sadd.s32 @!p2 $0x1, s1;
	s3 =	sor.u32 @!p2 $0x1400, s3;
	s6 =	sadd.s32 @!p2 s2, s0  }
0x3e: {  	[tilespmem:s3], [sflag:s1] =	stream.linear.gather @!p2 [hbm4b:s6+s10], $0x2000, $0x200038;
	[tilespmem:$0xD400] =	vst v63  }
0x3f: {  	s1 =	sand.u32 @!p2 $0x1, s26  }
0x40: {  	s0 =	sadd.s32 @!p2 s4, s0;
	_ =	strace @!p2 $0x90000049;
	s3 =	sshll.u32 @!p2 s1, $0xD  }
0x41: {  	s1 =	sadd.s32 @!p2 $0x3, s1;
	_ =	strace @!p2 $0x8000004A;
	s3 =	sor.u32 @!p2 $0x5400, s3  }
0x42: {  	[tilespmem:s3], [sflag:s1] =	stream.linear.gather @!p2 [hbm4b:s0+s10], $0x2000, $0x200038;
	[tilespmem:$0xD400] =	vst v63  }
0x43: {  	s5 =	sand.u32 $0x1, s28;
	_ =	strace @!p2 $0x9000004A  }
0x44: {  	s0 =	sadd.s32 $0x1, s5;
	_ =	strace $0x8000004B  }
0x45: {  	_ =	swait.ge [sflag:s0], $0x2000  }
0x46: {  	[sflag:s0] =	ssyncset.done $0x0  }
0x47: {  	s11 =	sshll.u32 s25, $0xD;
	[sflag:s0] =	ssyncadd.s32 $0xFFFFE000  }
0x48: {  	s6 =	sand.u32 $0x1, s25;
	s10 =	sshll.u32 s28, $0xD;
	_ =	strace $0x9000004B  }
0x49: {  	s1 =	sand.u32 $0x2000, s10;
	s0 =	sadd.s32 $0x3, s6;
	_ =	strace $0x8000004C  }
0x4a: {  	s3 =	sand.u32 $0x2000, s11;
	s1 =	sor.u32 $0x1400, s1;
	_ =	swait.ge [sflag:s0], $0x2000  }
0x4b: {  	s13 =	sor.u32 $0x5400, s3;
	v0 =	vmov s1;
	[sflag:s0] =	ssyncset.done $0x0  }
0x4c: {  	v1 =	vmov s13;
	[sflag:s0] =	ssyncadd.s32 $0xFFFFE000  }
0x4d: {  	s17 =	sand.u32 $0x70, s21;
	_ =	strace $0x9000004C  }
0x4e: {  	s18 =	sand.u32 $0x1C00, s21;
	s1 =	simm.s32 $0xC00;
	_ =	strace $0x8000004D  }
0x4f: {  	s6 =	sor.u32 s17, s18;
	v3 =	vld [tilespmem:s1+$0x0]  }
0x50: {  	v5 =	vld.idx.msk [tilespmem:v0+s6+$0x0 ss:$0x1], $0xffff  }
0x51: {  	s17 =	simm.s32 $0x1000;
	v6 =	vld.idx.msk [tilespmem:v1+s6+$0x0 ss:$0x1], $0xffff  }
0x52: {  	v4 =	vld [tilespmem:s17+$0x0]  }
0x53: {  	s3 =	sand.u32 $0x1, s24  }
0x54: {  	s19 =	sshll.u32 s3, $0xD  }
0x55: {  	s0 =	sor.u32 $0x9400, s19  }
0x56: {  	v2 =	vmov s0  }
0x57: {  	v5 =	vmul.f32 v5, v3;
	v6 =	vmul.f32 v6, v4;
	_ =	sdelay $0x1  }
0x58: {  	v5 =	vadd.f32 v6, v5;
	_ =	sdelay $0x1  }
0x59: {  	s5 =	sor.u32 $0x80, s6;
	[tilespmem:v2+s6+$0x0 ss:$0x1] =	vst.idx.msk $0xffff, v5  }
0x5a: {  	v5 =	vld.idx.msk [tilespmem:v0+s5+$0x0 ss:$0x1], $0xffff  }
0x5b: {  	v6 =	vld.idx.msk [tilespmem:v1+s5+$0x0 ss:$0x1], $0xffff;
	_ =	sdelay $0x4  }
0x5c: {  	v5 =	vmul.f32 v5, v3;
	v6 =	vmul.f32 v6, v4;
	_ =	sdelay $0x1  }
0x5d: {  	v5 =	vadd.f32 v6, v5;
	_ =	sdelay $0x1  }
0x5e: {  	s11 =	sor.u32 $0x100, s6;
	[tilespmem:v2+s5+$0x0 ss:$0x1] =	vst.idx.msk $0xffff, v5  }
0x5f: {  	v5 =	vld.idx.msk [tilespmem:v0+s11+$0x0 ss:$0x1], $0xffff  }
0x60: {  	v6 =	vld.idx.msk [tilespmem:v1+s11+$0x0 ss:$0x1], $0xffff;
	_ =	sdelay $0x4  }
0x61: {  	v5 =	vmul.f32 v5, v3;
	v6 =	vmul.f32 v6, v4;
	_ =	sdelay $0x1  }
0x62: {  	v5 =	vadd.f32 v6, v5;
	_ =	sdelay $0x1  }
0x63: {  	s13 =	sor.u32 $0x180, s6;
	[tilespmem:v2+s11+$0x0 ss:$0x1] =	vst.idx.msk $0xffff, v5  }
0x64: {  	v5 =	vld.idx.msk [tilespmem:v0+s13+$0x0 ss:$0x1], $0xffff  }
0x65: {  	v6 =	vld.idx.msk [tilespmem:v1+s13+$0x0 ss:$0x1], $0xffff;
	_ =	sdelay $0x4  }
0x66: {  	v5 =	vmul.f32 v5, v3;
	v6 =	vmul.f32 v6, v4;
	_ =	sdelay $0x1  }
0x67: {  	v5 =	vadd.f32 v6, v5;
	_ =	sdelay $0x1  }
0x68: {  	s18 =	sor.u32 $0x200, s6;
	[tilespmem:v2+s13+$0x0 ss:$0x1] =	vst.idx.msk $0xffff, v5  }
0x69: {  	v5 =	vld.idx.msk [tilespmem:v0+s18+$0x0 ss:$0x1], $0xffff  }
0x6a: {  	v6 =	vld.idx.msk [tilespmem:v1+s18+$0x0 ss:$0x1], $0xffff;
	_ =	sdelay $0x4  }
0x6b: {  	v5 =	vmul.f32 v5, v3;
	v6 =	vmul.f32 v6, v4;
	_ =	sdelay $0x1  }
0x6c: {  	v5 =	vadd.f32 v6, v5;
	_ =	sdelay $0x1  }
0x6d: {  	s19 =	sor.u32 $0x280, s6;
	[tilespmem:v2+s18+$0x0 ss:$0x1] =	vst.idx.msk $0xffff, v5  }
0x6e: {  	v5 =	vld.idx.msk [tilespmem:v0+s19+$0x0 ss:$0x1], $0xffff  }
0x6f: {  	v6 =	vld.idx.msk [tilespmem:v1+s19+$0x0 ss:$0x1], $0xffff;
	_ =	sdelay $0x4  }
0x70: {  	v5 =	vmul.f32 v5, v3;
	v6 =	vmul.f32 v6, v4;
	_ =	sdelay $0x1  }
0x71: {  	v5 =	vadd.f32 v6, v5;
	_ =	sdelay $0x1  }
0x72: {  	s6 =	sor.u32 $0x300, s6;
	[tilespmem:v2+s19+$0x0 ss:$0x1] =	vst.idx.msk $0xffff, v5  }
0x73: {  	v5 =	vld.idx.msk [tilespmem:v0+s6+$0x0 ss:$0x1], $0xffff  }
0x74: {  	v6 =	vld.idx.msk [tilespmem:v1+s6+$0x0 ss:$0x1], $0xffff;
	_ =	sdelay $0x4  }
0x75: {  	v5 =	vmul.f32 v5, v3;
	v6 =	vmul.f32 v6, v4;
	_ =	sdelay $0x1  }
0x76: {  	s8 =	smov.u32 s22;
	v5 =	vadd.f32 v6, v5  }
0x77: {  	p1 =	por !p1, p0;
	s10 =	sadd.s32 @!p2 $0x1, s22;
	s11 =	sor.u32 s21, s21  }
0x78: {  	s22 =	smov.u32 @p1 s10;
	s13 =	sor.u32 $0x380, s11;
	s18 =	simm.s32 $0x0;
	[tilespmem:v2+s6+$0x0 ss:$0x1] =	vst.idx.msk $0xffff, v5  }
0x79: {  	s10 =	simm.s32 $0x0;
	s22 =	smov.u32 @p0 s8;
	s18 =	simm.s32 @p1 $0x1;
	v5 =	vld.idx.msk [tilespmem:v0+s13+$0x0 ss:$0x1], $0xffff  }
0x7a: {  	s8 =	simm.s32 $0x10;
	s18 =	simm.s32 @p0 $0x0;
	s6 =	sadd.s32 s7, s31;
	v6 =	vld.idx.msk [tilespmem:v1+s13+$0x0 ss:$0x1], $0xffff  }
.LBB2_5:
0x7b: {  	s10 =	sadd.s32 $0x80, s10;
	s1 =	sadd.s32 $0x10, s1;
	s17 =	sadd.s32 $0x10, s17  }
0x7c: {  	p1 =	sne.s32 s8, $0x3F0;
	s11 =	smov.u32 s8;
	s8 =	sadd.s32 $0x10, s8  }
0x7d: {  	_ = 	snop  }
0x7e: {  	v3 =	vmul.f32 v5, v3  }
0x7f: {  	v4 =	vmul.f32 v6, v4;
	_ =	sdelay $0x1  }
0x80: {  	v3 =	vadd.f32 v4, v3;
	_ =	sdelay $0x1  }
0x81: {  	s5 =	sand.u32 $0x70, s11;
	s19 =	sand.u32 $0x1C00, s10;
	[tilespmem:v2+s13+$0x0 ss:$0x1] =	vst.idx.msk $0xffff, v3  }
0x82: {  	s13 =	sor.u32 s5, s19;
	v3 =	vld [tilespmem:s1+$0x0]  }
0x83: {  	v5 =	vld.idx.msk [tilespmem:v0+s13+$0x0 ss:$0x1], $0xffff  }
0x84: {  	v6 =	vld.idx.msk [tilespmem:v1+s13+$0x0 ss:$0x1], $0xffff  }
0x85: {  	v4 =	vld [tilespmem:s17+$0x0];
	_ =	sdelay $0x3  }
0x86: {  	v5 =	vmul.f32 v5, v3  }
0x87: {  	v6 =	vmul.f32 v6, v4;
	_ =	sdelay $0x1  }
0x88: {  	v5 =	vadd.f32 v6, v5;
	_ =	sdelay $0x1  }
0x89: {  	s5 =	sor.u32 $0x80, s13;
	[tilespmem:v2+s13+$0x0 ss:$0x1] =	vst.idx.msk $0xffff, v5  }
0x8a: {  	v5 =	vld.idx.msk [tilespmem:v0+s5+$0x0 ss:$0x1], $0xffff  }
0x8b: {  	v6 =	vld.idx.msk [tilespmem:v1+s5+$0x0 ss:$0x1], $0xffff;
	_ =	sdelay $0x4  }
0x8c: {  	v5 =	vmul.f32 v5, v3  }
0x8d: {  	v6 =	vmul.f32 v6, v4;
	_ =	sdelay $0x1  }
0x8e: {  	v5 =	vadd.f32 v6, v5;
	_ =	sdelay $0x1  }
0x8f: {  	[tilespmem:v2+s5+$0x0 ss:$0x1] =	vst.idx.msk $0xffff, v5;
	s5 =	sor.u32 $0x100, s13  }
0x90: {  	v5 =	vld.idx.msk [tilespmem:v0+s5+$0x0 ss:$0x1], $0xffff  }
0x91: {  	v6 =	vld.idx.msk [tilespmem:v1+s5+$0x0 ss:$0x1], $0xffff;
	_ =	sdelay $0x4  }
0x92: {  	v5 =	vmul.f32 v5, v3  }
0x93: {  	v6 =	vmul.f32 v6, v4;
	_ =	sdelay $0x1  }
0x94: {  	v5 =	vadd.f32 v6, v5;
	_ =	sdelay $0x1  }
0x95: {  	[tilespmem:v2+s5+$0x0 ss:$0x1] =	vst.idx.msk $0xffff, v5;
	s5 =	sor.u32 $0x180, s13  }
0x96: {  	v5 =	vld.idx.msk [tilespmem:v0+s5+$0x0 ss:$0x1], $0xffff  }
0x97: {  	v6 =	vld.idx.msk [tilespmem:v1+s5+$0x0 ss:$0x1], $0xffff;
	_ =	sdelay $0x4  }
0x98: {  	v5 =	vmul.f32 v5, v3  }
0x99: {  	v6 =	vmul.f32 v6, v4;
	_ =	sdelay $0x1  }
0x9a: {  	v5 =	vadd.f32 v6, v5;
	_ =	sdelay $0x1  }
0x9b: {  	[tilespmem:v2+s5+$0x0 ss:$0x1] =	vst.idx.msk $0xffff, v5;
	s5 =	sor.u32 $0x200, s13  }
0x9c: {  	v5 =	vld.idx.msk [tilespmem:v0+s5+$0x0 ss:$0x1], $0xffff  }
0x9d: {  	v6 =	vld.idx.msk [tilespmem:v1+s5+$0x0 ss:$0x1], $0xffff;
	_ =	sdelay $0x4  }
0x9e: {  	v5 =	vmul.f32 v5, v3  }
0x9f: {  	v6 =	vmul.f32 v6, v4;
	_ =	sdelay $0x1  }
0xa0: {  	v5 =	vadd.f32 v6, v5;
	_ =	sdelay $0x1  }
0xa1: {  	[tilespmem:v2+s5+$0x0 ss:$0x1] =	vst.idx.msk $0xffff, v5;
	s5 =	sor.u32 $0x280, s13  }
0xa2: {  	v5 =	vld.idx.msk [tilespmem:v0+s5+$0x0 ss:$0x1], $0xffff  }
0xa3: {  	v6 =	vld.idx.msk [tilespmem:v1+s5+$0x0 ss:$0x1], $0xffff;
	_ =	sdelay $0x4  }
0xa4: {  	v5 =	vmul.f32 v5, v3  }
0xa5: {  	v6 =	vmul.f32 v6, v4;
	_ =	sdelay $0x1  }
0xa6: {  	v5 =	vadd.f32 v6, v5;
	_ =	sdelay $0x1  }
0xa7: {  	[tilespmem:v2+s5+$0x0 ss:$0x1] =	vst.idx.msk $0xffff, v5;
	s5 =	sor.u32 $0x300, s13  }
0xa8: {  	v5 =	vld.idx.msk [tilespmem:v0+s5+$0x0 ss:$0x1], $0xffff  }
0xa9: {  	v6 =	vld.idx.msk [tilespmem:v1+s5+$0x0 ss:$0x1], $0xffff;
	_ =	sdelay $0x4  }
0xaa: {  	v5 =	vmul.f32 v5, v3  }
0xab: {  	v6 =	vmul.f32 v6, v4;
	_ =	sdelay $0x1  }
.Ltmp1:
0xac: {  	v5 =	vadd.f32 v6, v5;
	(pc) =	sbr.rel @p1 .LBB2_5-.Ltmp1, $4  }
0xad: {  	s11 =	sor.u32 s10, s11  }
0xae: {  	s13 =	sor.u32 $0x380, s11;
	[tilespmem:v2+s5+$0x0 ss:$0x1] =	vst.idx.msk $0xffff, v5  }
0xaf: {  	v5 =	vld.idx.msk [tilespmem:v0+s13+$0x0 ss:$0x1], $0xffff  }
0xb0: {  	v6 =	vld.idx.msk [tilespmem:v1+s13+$0x0 ss:$0x1], $0xffff  }
0xb1: {  	_ =	sdelay $0x3  }
0xb2: {  	v0 =	vmul.f32 v5, v3;
	v1 =	vmul.f32 v6, v4;
	_ =	sdelay $0x1  }
0xb3: {  	p1 =	sne.s32 s31, s30;
	v0 =	vadd.f32 v1, v0  }
0xb4: {  	p0 =	por p0, p1  }
0xb5: {  	p1 =	seq.s32 s29, $0x0;
	s1 =	sshll.u32 @p0 s6, $0xA;
	[tilespmem:v2+s13+$0x0 ss:$0x1] =	vst.idx.msk $0xffff, v0  }
0xb6: {  	s3 =	sadd.s32 @p0 $0x5, s3;
	s1 =	sand.u32 @p0 $0x1FFFFC00, s1;
	_ =	strace $0x9000004D  }
0xb7: {  	s5 =	simm.s32 @p0 $0x0;
	s1 =	sadd.s32 @p0 s9, s1;
	_ =	strace @p0 $0x8000004E  }
0xb8: {  	[hbm4b:s1+s5] =	stream.linear.scatter @p0 [tilespmem:s0], [sflag:s3], $0x2000, $0x200038;
	[tilespmem:$0xD400] =	vst v63  }
0xb9: {  	s0 =	sand.u32 @!p1 $0x1, s23;
	_ =	strace @p0 $0x9000004E  }
0xba: {  	s0 =	sadd.s32 @!p1 $0x5, s0;
	_ =	strace @!p1 $0x8000004F  }
0xbb: {  	s1 =	simm.s32 $0x1;
	_ =	swait.ge @!p1 [sflag:s0], $0x2000  }
0xbc: {  	s1 =	simm.s32 @!p0 $0x0;
	p0 =	sne.s32 s29, $0x0;
	[sflag:s0] =	ssyncset.done @!p1 $0x0  }
0xbd: {  	s29 =	sadd.s32 $0x1, s29;
	[sflag:s0] =	ssyncadd.s32 @!p1 $0xFFFFE000;
	s0 =	simm.s32 $0x1  }
0xbe: {  	s0 =	simm.s32 @!p0 $0x0;
	p0 =	sne.s32 s29, $0x8  }
.Ltmp2:
0xbf: {  	_ = 	snop;
	(pc) =	sbr.rel @p0 .LBB2_4-.Ltmp2, $4  }
0xc0: {  	_ = 	snop  }
0xc1: {  	s26 =	sadd.s32 s26, s18  }
0xc2: {  	s31 =	smov.u32 s30;
	s24 =	sadd.s32 s1, s24;
	s28 =	sadd.s32 s1, s28  }
0xc3: {  	s25 =	sadd.s32 s1, s25;
	_ =	strace @!p1 $0x9000004F;
	s23 =	sadd.s32 s0, s23  }
0xc4: {  	_ =	strace $0x80000050;
	s0 =	simm.s32 $0x6  }
0xc5: {  	_ =	swait.ge [sflag:s0], $0x2000  }
0xc6: {  	s20 =	sadd.s32 $0x1, s20;
	s31 =	rddreg [dreg:$0x9]  }
0xc7: {  	p0 =	sne.s32 s20, s31  }
.Ltmp3:
0xc8: {  	_ = 	snop;
	(pc) =	sbr.rel @p0 .LBB2_1-.Ltmp3, $4  }
0xc9: {  	_ = 	snop  }
0xca: {  	[sflag:s0] =	ssyncset.done $0x0  }
0xcb: {  	[sflag:s0] =	ssyncadd.s32 $0xFFFFE000  }
0xcc: {  	_ =	strace $0x90000050  }
0xcd: {  	_ =	sfence.sel $0x180000  }
0xce: {  	[bflag:$0x0] =	sbarrier.arrive $0xFFFF  }
0xcf: {  	_ =	strace $0x90000047  }
0xd0: {  	s0 =	stileid.u32;
	[bflag:$0x2] =	sbarrier.arrive $0xFFFF  }
0xd1: {  	p0 =	sne.s32 s0, $0x0;
	s0 =	rddreg [dreg:$0x4]  }
0xd2: {  	s0 =	sadd.s32 @!p0 $0x100000, s0  }
0xd3: {  	[sflag:s0] =	ssyncadd.tile.s32 @!p0 $0x1;
	_ =	shalt  }
.Lfunc_end2:
_tile_overlayer_lowered:
.L_overlay_start_2:
0xd4: {  	(tag) =	ssettag $0x2  }
0xd5: {  	s0 =	rddreg [dreg:$0x0];
	s2 =	stileid.u32  }
0xd6: {  	s1 =	rddreg [dreg:$0x1];
	p0 =	sne.s32 s2, $0x0  }
0xd7: {  	s3 =	rddreg [dreg:$0x2];
	[bflag:$0x3] =	sbarrier.arrive $0xFFFF;
	s2 =	simm.s32 @!p0 $0x1C01  }
0xd8: {  	[timem:s3], [sflag:s2] =	dma.local @!p0 [hbm:s0], s1  }
0xd9: {  	s0 =	simm.s32 @!p0 $0x1  }
0xda: {  	_ =	swait.ge @!p0 [sflag:s0], s1  }
0xdb: {  	s1 =	ssub.s32 @!p0 $0x0, s1;
	[sflag:s0] =	ssyncset.done @!p0 $0x0  }
0xdc: {  	[sflag:s0] =	ssyncadd.s32 @!p0 s1  }
0xdd: {  	[bflag:$0x3] =	sbarrier.arrive $0xFFFF  }
0xde: {  	_ =	shalt  }

</sc_bundles>
